<compile_context>
chip_gen: v7x
topology: tpu7x:2x2x1
jax: 0.10.2.dev20260603
libtpu: 0.0.44.dev20260713+nightly
codegen_flags: <defaults>
</compile_context>

<pallas_src>
import functools
import math

import jax
import jax.numpy as jnp
from jax import lax
from jax.experimental import pallas as pl
from jax.experimental.pallas import tpu as pltpu
from jax.experimental.pallas import tpu_sc as plsc

_SIZE = 32000
_ROWS = 4096
_SMOOTH = 0.1
_CONF = 1.0 - _SMOOTH
_EPS = _SMOOTH / (_SIZE - 2)
_C_CONST = (_SIZE - 2) * _EPS * math.log(_EPS) + _CONF * math.log(_CONF)

_RB = 512
_CB = 5632
_C1 = 22528
_W = _SIZE - _C1

_NW = 32
_RPW = _ROWS // _NW
_L = 16
_KR = 8
_UNR = 8


def _sc_body(x_hbm, tsp_hbm, out_hbm, tsp_v, buf, acc_v, sem):
    wid = lax.axis_index("s") * 2 + lax.axis_index("c")
    base = wid * _RPW
    pltpu.sync_copy(tsp_hbm.at[pl.ds(base * _L, _RPW * _L)], tsp_v)
    lane = lax.iota(jnp.int32, _L)
    zero = jnp.zeros((_L,), jnp.float32)

    def blk_step(b, acc):
        pltpu.async_copy(
            x_hbm.at[pl.ds(base + b * _KR, _KR), pl.ds(_C1, _W)], buf, sem
        ).wait()
        for r in range(_KR):
            t_splat = tsp_v[pl.ds((b * _KR + r) * _L, _L)]
            t_shift = t_splat - (_C1 + lane)

            def col_step(k0, carry):
                ss = list(carry[:4])
                gg = list(carry[4:])
                for j in range(_UNR):
                    k = k0 * _UNR + j
                    x16 = buf[r, pl.ds(k * _L, _L)]
                    ss[j % 4] = ss[j % 4] + x16
                    gg[j % 2] = gg[j % 2] + jnp.where(
                        t_shift == k * _L, x16, 0.0
                    )
                return tuple(ss) + tuple(gg)

            parts = lax.fori_loop(
                0, _W // (_L * _UNR), col_step, (zero,) * 6
            )
            s = parts[0] + parts[1] + parts[2] + parts[3]
            g = parts[4] + parts[5]
            acc = acc + jnp.where(
                t_splat != 0, -_EPS * s + (_EPS - _CONF) * g, zero
            )
        return acc

    acc = lax.fori_loop(0, _RPW // _KR, blk_step, zero)
    acc_v[...] = acc
    pltpu.sync_copy(acc_v, out_hbm.at[wid])


_sc_stripe = functools.partial(
    pl.kernel,
    mesh=plsc.VectorSubcoreMesh(core_axis_name="c", subcore_axis_name="s"),
    out_type=jax.ShapeDtypeStruct((_NW, _L), jnp.float32),
    scratch_types=[
        pltpu.VMEM((_RPW * _L,), jnp.int32),
        pltpu.VMEM((_KR, _W), jnp.float32),
        pltpu.VMEM((_L,), jnp.float32),
        pltpu.SemaphoreType.DMA,
    ],
)(_sc_body)


def _reduce_body(tgt_ref, x_ref, out_ref):
    i = pl.program_id(0)
    j = pl.program_id(1)

    @pl.when((i == 0) & (j == 0))
    def _init():
        out_ref[...] = jnp.zeros_like(out_ref)

    tgt = tgt_ref[...]
    valid = (tgt != 0).astype(jnp.float32)
    xb = x_ref[...]

    w_eps = -_EPS * valid
    w_conf = -_CONF * valid
    t_shift = tgt - j * _CB
    col_ids = jax.lax.broadcasted_iota(jnp.int32, (_RB, _CB), 1)
    acc = jnp.sum(xb * jnp.where(col_ids == t_shift, w_conf, w_eps))

    col0 = jnp.sum(xb[:, 0:1] * valid)
    nvalid = jnp.sum(valid)
    acc = acc + jnp.where(j == 0, _EPS * col0 + _C_CONST * nvalid, 0.0)

    out_ref[...] += acc


def _combine_body(tc_ref, sc_ref, out_ref):
    out_ref[...] = tc_ref[...] + jnp.sum(sc_ref[...])


@jax.jit
def kernel(x, target):
    tgt = target.astype(jnp.int32)
    tsp = jnp.repeat(tgt, _L)
    sc_part = _sc_stripe(x, tsp)
    tc_part = pl.pallas_call(
        _reduce_body,
        grid=(_ROWS // _RB, _C1 // _CB),
        in_specs=[
            pl.BlockSpec((_RB, 1), lambda i, j: (i, 0)),
            pl.BlockSpec((_RB, _CB), lambda i, j: (i, j)),
        ],
        out_specs=pl.BlockSpec((1, 1), lambda i, j: (0, 0)),
        out_shape=jax.ShapeDtypeStruct((1, 1), jnp.float32),
    )(tgt.reshape(_ROWS, 1), x)
    out = pl.pallas_call(
        _combine_body,
        out_shape=jax.ShapeDtypeStruct((1, 1), jnp.float32),
    )(tc_part, sc_part)
    return out[0, 0]

# --- scband reference (transcript-rebuilt; emitter-appended) ---
"""Pipeline reference for scband-label-smoothing-loss-24266565222408 (READ-ONLY COPY).

The authoritative reference and input builder live on the scoring server;
editing this copy changes nothing except your own understanding.
"""

import jax, jax.numpy as jnp
import numpy as np

SIZE = 32000
SMOOTHING = 0.1
CONFIDENCE = 1.0 - SMOOTHING
PAD = 0  # PAD is an undefined global in the original source; standard convention PAD=0


def setup_inputs(seed: int = 0) -> dict:
    key = jax.random.key(seed)
    k1, k2 = jax.random.split(key)
    x = jax.random.normal(k1, (4096, SIZE), dtype=jnp.float32)
    # KLDivLoss expects log-probabilities as input; make x realistic log-probs
    x = jax.nn.log_softmax(x, axis=-1)
    target = jax.random.randint(k2, (4096,), 0, SIZE, dtype=jnp.int64)
    return {"x": x, "target": target}


def reference(x, target):
    n = x.shape[0]
    # true_dist = x.clone().fill_(smoothing / (size - 2))
    true_dist = jnp.full_like(x, SMOOTHING / (SIZE - 2))
    # scatter_(1, target.unsqueeze(1), confidence)
    true_dist = true_dist.at[jnp.arange(n), target].set(CONFIDENCE)
    # true_dist[:, padding_idx] = 0
    true_dist = true_dist.at[:, PAD].set(0.0)
    # index_fill_(0, rows where target == padding_idx, 0.0)
    pad_mask = (target == PAD)
    true_dist = jnp.where(pad_mask[:, None], 0.0, true_dist)
    # nn.KLDivLoss(reduction='sum'): sum over target * (log(target) - input), 0*log(0) := 0
    kl = jnp.where(true_dist > 0, true_dist * (jnp.log(jnp.where(true_dist > 0, true_dist, 1.0)) - x), 0.0)
    return jnp.sum(kl)

if __name__ == "__main__":
    import jax
    _d = setup_inputs()
    print(jax.jit(kernel)(*tuple(_d.values())))

</pallas_src>

<mosaic_0001>
#map = affine_map<(d0, d1) -> (0, 0)>
#map1 = affine_map<(d0, d1) -> (0)>
module attributes {stable_mosaic.version = 14 : i64} {
  func.func @_sc_body(%arg0: i32, %arg1: i32, %arg2: memref<4096x32000xf32, #tpu.memory_space<hbm>>, %arg3: memref<65536xi32, #tpu.memory_space<hbm>>, %arg4: memref<32x16xf32, #tpu.memory_space<hbm>>, %arg5: memref<2048xi32, #tpu.memory_space<vmem>>, %arg6: memref<8x9472xf32, #tpu.memory_space<vmem>>, %arg7: memref<16xf32, #tpu.memory_space<vmem>>, %arg8: memref<!tpu.dma_semaphore, #tpu.memory_space<semaphore_mem>>) attributes {dimension_semantics = [#tpu.dimension_semantics<core_parallel>, #tpu.dimension_semantics<subcore_parallel>], iteration_bounds = array<i64: 2, 16>, scalar_prefetch = 0 : i64, scratch_operands = 4 : i64, tpu.core_type = #tpu.core_type<sc_vector_subcore>, window_params = [{transform_indices = #map}, {transform_indices = #map1}, {transform_indices = #map}]} {
    %mul3A = arith.constant 2 : i32
    %mul3A_0 = arith.muli %arg1, %mul3A : i32
    %add3A = arith.addi %mul3A_0, %arg0 : i32
    %mul3A_1 = arith.constant 128 : i32
    %mul3A_2 = arith.muli %add3A, %mul3A_1 : i32
    %mul3A_3 = arith.constant 16 : i32
    %mul3A_4 = arith.muli %mul3A_2, %mul3A_3 : i32
    "tpu.region"() ({
      %run_scoped3A = tpu.sem_alloc : memref<!tpu.dma_semaphore, #tpu.memory_space<semaphore_mem>>
      %dma_start3A = tpu.memref_slice %arg3[%mul3A_4] : memref<65536xi32, #tpu.memory_space<hbm>> -> memref<2048xi32, #tpu.memory_space<hbm>>
      %dma_start3A_14 = tpu.memref_slice %arg3[%mul3A_4] : memref<65536xi32, #tpu.memory_space<hbm>> -> memref<2048xi32, #tpu.memory_space<hbm>>
      tpu.enqueue_dma source(%dma_start3A_14 : memref<2048xi32, #tpu.memory_space<hbm>>) target(%arg5 : memref<2048xi32, #tpu.memory_space<vmem>>) target_semaphore(%run_scoped3A : memref<!tpu.dma_semaphore, #tpu.memory_space<semaphore_mem>>)
      %dma_wait3A = tpu.memref_slice %arg3[%mul3A_4] : memref<65536xi32, #tpu.memory_space<hbm>> -> memref<2048xi32, #tpu.memory_space<hbm>>
      %dma_wait3A_15 = tpu.memref_slice %arg3[%mul3A_4] : memref<65536xi32, #tpu.memory_space<hbm>> -> memref<2048xi32, #tpu.memory_space<hbm>>
      tpu.wait_dma2 semaphore(%run_scoped3A : memref<!tpu.dma_semaphore, #tpu.memory_space<semaphore_mem>>) src(%dma_wait3A_15 : memref<2048xi32, #tpu.memory_space<hbm>>) dst(%arg5 : memref<2048xi32, #tpu.memory_space<vmem>>)
      tpu.yield
    }) : () -> ()
    %iota3A = tpu.iota {dimensions = array<i32: 0>} : vector<16xi32>
    %broadcast_in_dim3A = arith.constant 0.000000e+00 : f32
    %broadcast_in_dim3A_5 = vector.broadcast %broadcast_in_dim3A : f32 to vector<16xf32>
    %scan3A = arith.constant 0 : i32
    %scan3A_6 = arith.constant 16 : i32
    %scan3A_7 = arith.addi %scan3A, %scan3A_6 : i32
    %scan3A_8 = arith.constant 1 : i32
    %scan3A_9 = scf.for %scan3A_14 = %scan3A to %scan3A_7 step %scan3A_8 iter_args(%scan3A_15 = %broadcast_in_dim3A_5) -> (vector<16xf32>)  : i32 {
      %mul3A_16 = arith.constant 8 : i32
      %mul3A_17 = arith.muli %scan3A_14, %mul3A_16 : i32
      %add3A_18 = arith.addi %mul3A_2, %mul3A_17 : i32
      %dma_start3A = arith.constant 22528 : i32
      %dma_start3A_19 = tpu.memref_slice %arg2[%add3A_18, %dma_start3A] : memref<4096x32000xf32, #tpu.memory_space<hbm>> -> memref<8x9472xf32, #tpu.memory_space<hbm>>
      %dma_start3A_20 = arith.constant 22528 : i32
      %dma_start3A_21 = tpu.memref_slice %arg2[%add3A_18, %dma_start3A_20] : memref<4096x32000xf32, #tpu.memory_space<hbm>> -> memref<8x9472xf32, #tpu.memory_space<hbm>>
      tpu.enqueue_dma source(%dma_start3A_21 : memref<8x9472xf32, #tpu.memory_space<hbm>>) target(%arg6 : memref<8x9472xf32, #tpu.memory_space<vmem>>) target_semaphore(%arg8 : memref<!tpu.dma_semaphore, #tpu.memory_space<semaphore_mem>>)
      %dma_wait3A = arith.constant 22528 : i32
      %dma_wait3A_22 = tpu.memref_slice %arg2[%add3A_18, %dma_wait3A] : memref<4096x32000xf32, #tpu.memory_space<hbm>> -> memref<8x9472xf32, #tpu.memory_space<hbm>>
      %dma_wait3A_23 = arith.constant 22528 : i32
      %dma_wait3A_24 = tpu.memref_slice %arg2[%add3A_18, %dma_wait3A_23] : memref<4096x32000xf32, #tpu.memory_space<hbm>> -> memref<8x9472xf32, #tpu.memory_space<hbm>>
      tpu.wait_dma2 semaphore(%arg8 : memref<!tpu.dma_semaphore, #tpu.memory_space<semaphore_mem>>) src(%dma_wait3A_24 : memref<8x9472xf32, #tpu.memory_space<hbm>>) dst(%arg6 : memref<8x9472xf32, #tpu.memory_space<vmem>>)
      %mul3A_25 = arith.constant 8 : i32
      %mul3A_26 = arith.muli %scan3A_14, %mul3A_25 : i32
      %add3A_27 = arith.constant 0 : i32
      %add3A_28 = arith.addi %mul3A_26, %add3A_27 : i32
      %mul3A_29 = arith.constant 16 : i32
      %mul3A_30 = arith.muli %add3A_28, %mul3A_29 : i32
      %get3A = arith.index_cast %mul3A_30 : i32 to index
      %get3A_31 = tpu.vector_load %arg5[%get3A] {strides = array<i32>} : memref<2048xi32, #tpu.memory_space<vmem>>, vector<16xi32>,
      %get3A_32 = vector.shape_cast %get3A_31 : vector<16xi32> to vector<16xi32>
      %add3A_33 = arith.constant 22528 : i32
      %add3A_34 = vector.broadcast %add3A_33 : i32 to vector<16xi32>
      %add3A_35 = arith.addi %add3A_34, %iota3A : vector<16xi32>
      %sub3A = arith.subi %get3A_32, %add3A_35 : vector<16xi32>
      %scan3A_36 = arith.constant 0 : i32
      %scan3A_37 = arith.constant 74 : i32
      %scan3A_38 = arith.addi %scan3A_36, %scan3A_37 : i32
      %scan3A_39 = arith.constant 1 : i32
      %scan3A_40:6 = scf.for %scan3A_301 = %scan3A_36 to %scan3A_38 step %scan3A_39 iter_args(%scan3A_302 = %broadcast_in_dim3A_5, %scan3A_303 = %broadcast_in_dim3A_5, %scan3A_304 = %broadcast_in_dim3A_5, %scan3A_305 = %broadcast_in_dim3A_5, %scan3A_306 = %broadcast_in_dim3A_5, %scan3A_307 = %broadcast_in_dim3A_5) -> (vector<16xf32>, vector<16xf32>, vector<16xf32>, vector<16xf32>, vector<16xf32>, vector<16xf32>)  : i32 {
        %mul3A_308 = arith.constant 8 : i32
        %mul3A_309 = arith.muli %scan3A_301, %mul3A_308 : i32
        %add3A_310 = arith.constant 0 : i32
        %add3A_311 = arith.addi %mul3A_309, %add3A_310 : i32
        %mul3A_312 = arith.constant 16 : i32
        %mul3A_313 = arith.muli %add3A_311, %mul3A_312 : i32
        %get3A_314 = arith.constant 0 : i32
        %get3A_315 = arith.index_cast %get3A_314 : i32 to index
        %get3A_316 = arith.index_cast %mul3A_313 : i32 to index
        %get3A_317 = tpu.vector_load %arg6[%get3A_315, %get3A_316] {strides = array<i32>} : memref<8x9472xf32, #tpu.memory_space<vmem>>, vector<1x16xf32>,
        %get3A_318 = vector.shape_cast %get3A_317 : vector<1x16xf32> to vector<16xf32>
        %add3A_319 = arith.addf %scan3A_302, %get3A_318 : vector<16xf32>
        %mul3A_320 = arith.constant 16 : i32
        %mul3A_321 = arith.muli %add3A_311, %mul3A_320 : i32
        %eq3A = vector.broadcast %mul3A_321 : i32 to vector<16xi32>
        %eq3A_322 = arith.cmpi eq, %sub3A, %eq3A : vector<16xi32>
        %jit3A = arith.constant 0.000000e+00 : f32
        %broadcast_in_dim3A_323 = vector.broadcast %jit3A : f32 to vector<16xf32>
        %select_n3A_324 = arith.select %eq3A_322, %get3A_318, %broadcast_in_dim3A_323 : vector<16xi1>, vector<16xf32>
        %add3A_325 = arith.addf %scan3A_306, %select_n3A_324 : vector<16xf32>
        %mul3A_326 = arith.constant 8 : i32
        %mul3A_327 = arith.muli %scan3A_301, %mul3A_326 : i32
        %add3A_328 = arith.constant 1 : i32
        %add3A_329 = arith.addi %mul3A_327, %add3A_328 : i32
        %mul3A_330 = arith.constant 16 : i32
        %mul3A_331 = arith.muli %add3A_329, %mul3A_330 : i32
        %get3A_332 = arith.constant 0 : i32
        %get3A_333 = arith.index_cast %get3A_332 : i32 to index
        %get3A_334 = arith.index_cast %mul3A_331 : i32 to index
        %get3A_335 = tpu.vector_load %arg6[%get3A_333, %get3A_334] {strides = array<i32>} : memref<8x9472xf32, #tpu.memory_space<vmem>>, vector<1x16xf32>,
        %get3A_336 = vector.shape_cast %get3A_335 : vector<1x16xf32> to vector<16xf32>
        %add3A_337 = arith.addf %scan3A_303, %get3A_336 : vector<16xf32>
        %mul3A_338 = arith.constant 16 : i32
        %mul3A_339 = arith.muli %add3A_329, %mul3A_338 : i32
        %eq3A_340 = vector.broadcast %mul3A_339 : i32 to vector<16xi32>
        %eq3A_341 = arith.cmpi eq, %sub3A, %eq3A_340 : vector<16xi32>
        %jit3A_342 = arith.constant 0.000000e+00 : f32
        %broadcast_in_dim3A_343 = vector.broadcast %jit3A_342 : f32 to vector<16xf32>
        %select_n3A_344 = arith.select %eq3A_341, %get3A_336, %broadcast_in_dim3A_343 : vector<16xi1>, vector<16xf32>
        %add3A_345 = arith.addf %scan3A_307, %select_n3A_344 : vector<16xf32>
        %mul3A_346 = arith.constant 8 : i32
        %mul3A_347 = arith.muli %scan3A_301, %mul3A_346 : i32
        %add3A_348 = arith.constant 2 : i32
        %add3A_349 = arith.addi %mul3A_347, %add3A_348 : i32
        %mul3A_350 = arith.constant 16 : i32
        %mul3A_351 = arith.muli %add3A_349, %mul3A_350 : i32
        %get3A_352 = arith.constant 0 : i32
        %get3A_353 = arith.index_cast %get3A_352 : i32 to index
        %get3A_354 = arith.index_cast %mul3A_351 : i32 to index
        %get3A_355 = tpu.vector_load %arg6[%get3A_353, %get3A_354] {strides = array<i32>} : memref<8x9472xf32, #tpu.memory_space<vmem>>, vector<1x16xf32>,
        %get3A_356 = vector.shape_cast %get3A_355 : vector<1x16xf32> to vector<16xf32>
        %add3A_357 = arith.addf %scan3A_304, %get3A_356 : vector<16xf32>
        %mul3A_358 = arith.constant 16 : i32
        %mul3A_359 = arith.muli %add3A_349, %mul3A_358 : i32
        %eq3A_360 = vector.broadcast %mul3A_359 : i32 to vector<16xi32>
        %eq3A_361 = arith.cmpi eq, %sub3A, %eq3A_360 : vector<16xi32>
        %jit3A_362 = arith.constant 0.000000e+00 : f32
        %broadcast_in_dim3A_363 = vector.broadcast %jit3A_362 : f32 to vector<16xf32>
        %select_n3A_364 = arith.select %eq3A_361, %get3A_356, %broadcast_in_dim3A_363 : vector<16xi1>, vector<16xf32>
        %add3A_365 = arith.addf %add3A_325, %select_n3A_364 : vector<16xf32>
        %mul3A_366 = arith.constant 8 : i32
        %mul3A_367 = arith.muli %scan3A_301, %mul3A_366 : i32
        %add3A_368 = arith.constant 3 : i32
        %add3A_369 = arith.addi %mul3A_367, %add3A_368 : i32
        %mul3A_370 = arith.constant 16 : i32
        %mul3A_371 = arith.muli %add3A_369, %mul3A_370 : i32
        %get3A_372 = arith.constant 0 : i32
        %get3A_373 = arith.index_cast %get3A_372 : i32 to index
        %get3A_374 = arith.index_cast %mul3A_371 : i32 to index
        %get3A_375 = tpu.vector_load %arg6[%get3A_373, %get3A_374] {strides = array<i32>} : memref<8x9472xf32, #tpu.memory_space<vmem>>, vector<1x16xf32>,
        %get3A_376 = vector.shape_cast %get3A_375 : vector<1x16xf32> to vector<16xf32>
        %add3A_377 = arith.addf %scan3A_305, %get3A_376 : vector<16xf32>
        %mul3A_378 = arith.constant 16 : i32
        %mul3A_379 = arith.muli %add3A_369, %mul3A_378 : i32
        %eq3A_380 = vector.broadcast %mul3A_379 : i32 to vector<16xi32>
        %eq3A_381 = arith.cmpi eq, %sub3A, %eq3A_380 : vector<16xi32>
        %jit3A_382 = arith.constant 0.000000e+00 : f32
        %broadcast_in_dim3A_383 = vector.broadcast %jit3A_382 : f32 to vector<16xf32>
        %select_n3A_384 = arith.select %eq3A_381, %get3A_376, %broadcast_in_dim3A_383 : vector<16xi1>, vector<16xf32>
        %add3A_385 = arith.addf %add3A_345, %select_n3A_384 : vector<16xf32>
        %mul3A_386 = arith.constant 8 : i32
        %mul3A_387 = arith.muli %scan3A_301, %mul3A_386 : i32
        %add3A_388 = arith.constant 4 : i32
        %add3A_389 = arith.addi %mul3A_387, %add3A_388 : i32
        %mul3A_390 = arith.constant 16 : i32
        %mul3A_391 = arith.muli %add3A_389, %mul3A_390 : i32
        %get3A_392 = arith.constant 0 : i32
        %get3A_393 = arith.index_cast %get3A_392 : i32 to index
        %get3A_394 = arith.index_cast %mul3A_391 : i32 to index
        %get3A_395 = tpu.vector_load %arg6[%get3A_393, %get3A_394] {strides = array<i32>} : memref<8x9472xf32, #tpu.memory_space<vmem>>, vector<1x16xf32>,
        %get3A_396 = vector.shape_cast %get3A_395 : vector<1x16xf32> to vector<16xf32>
        %add3A_397 = arith.addf %add3A_319, %get3A_396 : vector<16xf32>
        %mul3A_398 = arith.constant 16 : i32
        %mul3A_399 = arith.muli %add3A_389, %mul3A_398 : i32
        %eq3A_400 = vector.broadcast %mul3A_399 : i32 to vector<16xi32>
        %eq3A_401 = arith.cmpi eq, %sub3A, %eq3A_400 : vector<16xi32>
        %jit3A_402 = arith.constant 0.000000e+00 : f32
        %broadcast_in_dim3A_403 = vector.broadcast %jit3A_402 : f32 to vector<16xf32>
        %select_n3A_404 = arith.select %eq3A_401, %get3A_396, %broadcast_in_dim3A_403 : vector<16xi1>, vector<16xf32>
        %add3A_405 = arith.addf %add3A_365, %select_n3A_404 : vector<16xf32>
        %mul3A_406 = arith.constant 8 : i32
        %mul3A_407 = arith.muli %scan3A_301, %mul3A_406 : i32
        %add3A_408 = arith.constant 5 : i32
        %add3A_409 = arith.addi %mul3A_407, %add3A_408 : i32
        %mul3A_410 = arith.constant 16 : i32
        %mul3A_411 = arith.muli %add3A_409, %mul3A_410 : i32
        %get3A_412 = arith.constant 0 : i32
        %get3A_413 = arith.index_cast %get3A_412 : i32 to index
        %get3A_414 = arith.index_cast %mul3A_411 : i32 to index
        %get3A_415 = tpu.vector_load %arg6[%get3A_413, %get3A_414] {strides = array<i32>} : memref<8x9472xf32, #tpu.memory_space<vmem>>, vector<1x16xf32>,
        %get3A_416 = vector.shape_cast %get3A_415 : vector<1x16xf32> to vector<16xf32>
        %add3A_417 = arith.addf %add3A_337, %get3A_416 : vector<16xf32>
        %mul3A_418 = arith.constant 16 : i32
        %mul3A_419 = arith.muli %add3A_409, %mul3A_418 : i32
        %eq3A_420 = vector.broadcast %mul3A_419 : i32 to vector<16xi32>
        %eq3A_421 = arith.cmpi eq, %sub3A, %eq3A_420 : vector<16xi32>
        %jit3A_422 = arith.constant 0.000000e+00 : f32
        %broadcast_in_dim3A_423 = vector.broadcast %jit3A_422 : f32 to vector<16xf32>
        %select_n3A_424 = arith.select %eq3A_421, %get3A_416, %broadcast_in_dim3A_423 : vector<16xi1>, vector<16xf32>
        %add3A_425 = arith.addf %add3A_385, %select_n3A_424 : vector<16xf32>
        %mul3A_426 = arith.constant 8 : i32
        %mul3A_427 = arith.muli %scan3A_301, %mul3A_426 : i32
        %add3A_428 = arith.constant 6 : i32
        %add3A_429 = arith.addi %mul3A_427, %add3A_428 : i32
        %mul3A_430 = arith.constant 16 : i32
        %mul3A_431 = arith.muli %add3A_429, %mul3A_430 : i32
        %get3A_432 = arith.constant 0 : i32
        %get3A_433 = arith.index_cast %get3A_432 : i32 to index
        %get3A_434 = arith.index_cast %mul3A_431 : i32 to index
        %get3A_435 = tpu.vector_load %arg6[%get3A_433, %get3A_434] {strides = array<i32>} : memref<8x9472xf32, #tpu.memory_space<vmem>>, vector<1x16xf32>,
        %get3A_436 = vector.shape_cast %get3A_435 : vector<1x16xf32> to vector<16xf32>
        %add3A_437 = arith.addf %add3A_357, %get3A_436 : vector<16xf32>
        %mul3A_438 = arith.constant 16 : i32
        %mul3A_439 = arith.muli %add3A_429, %mul3A_438 : i32
        %eq3A_440 = vector.broadcast %mul3A_439 : i32 to vector<16xi32>
        %eq3A_441 = arith.cmpi eq, %sub3A, %eq3A_440 : vector<16xi32>
        %jit3A_442 = arith.constant 0.000000e+00 : f32
        %broadcast_in_dim3A_443 = vector.broadcast %jit3A_442 : f32 to vector<16xf32>
        %select_n3A_444 = arith.select %eq3A_441, %get3A_436, %broadcast_in_dim3A_443 : vector<16xi1>, vector<16xf32>
        %add3A_445 = arith.addf %add3A_405, %select_n3A_444 : vector<16xf32>
        %mul3A_446 = arith.constant 8 : i32
        %mul3A_447 = arith.muli %scan3A_301, %mul3A_446 : i32
        %add3A_448 = arith.constant 7 : i32
        %add3A_449 = arith.addi %mul3A_447, %add3A_448 : i32
        %mul3A_450 = arith.constant 16 : i32
        %mul3A_451 = arith.muli %add3A_449, %mul3A_450 : i32
        %get3A_452 = arith.constant 0 : i32
        %get3A_453 = arith.index_cast %get3A_452 : i32 to index
        %get3A_454 = arith.index_cast %mul3A_451 : i32 to index
        %get3A_455 = tpu.vector_load %arg6[%get3A_453, %get3A_454] {strides = array<i32>} : memref<8x9472xf32, #tpu.memory_space<vmem>>, vector<1x16xf32>,
        %get3A_456 = vector.shape_cast %get3A_455 : vector<1x16xf32> to vector<16xf32>
        %add3A_457 = arith.addf %add3A_377, %get3A_456 : vector<16xf32>
        %mul3A_458 = arith.constant 16 : i32
        %mul3A_459 = arith.muli %add3A_449, %mul3A_458 : i32
        %eq3A_460 = vector.broadcast %mul3A_459 : i32 to vector<16xi32>
        %eq3A_461 = arith.cmpi eq, %sub3A, %eq3A_460 : vector<16xi32>
        %jit3A_462 = arith.constant 0.000000e+00 : f32
        %broadcast_in_dim3A_463 = vector.broadcast %jit3A_462 : f32 to vector<16xf32>
        %select_n3A_464 = arith.select %eq3A_461, %get3A_456, %broadcast_in_dim3A_463 : vector<16xi1>, vector<16xf32>
        %add3A_465 = arith.addf %add3A_425, %select_n3A_464 : vector<16xf32>
        scf.yield %add3A_397, %add3A_417, %add3A_437, %add3A_457, %add3A_445, %add3A_465 : vector<16xf32>, vector<16xf32>, vector<16xf32>, vector<16xf32>, vector<16xf32>, vector<16xf32>
      }
      %scan3A_41 = arith.constant 74 : i32
      %add3A_42 = arith.addf %scan3A_40#0, %scan3A_40#1 : vector<16xf32>
      %add3A_43 = arith.addf %add3A_42, %scan3A_40#2 : vector<16xf32>
      %add3A_44 = arith.addf %add3A_43, %scan3A_40#3 : vector<16xf32>
      %add3A_45 = arith.addf %scan3A_40#4, %scan3A_40#5 : vector<16xf32>
      %ne3A = arith.constant 0 : i32
      %ne3A_46 = vector.broadcast %ne3A : i32 to vector<16xi32>
      %ne3A_47 = arith.cmpi ne, %get3A_32, %ne3A_46 : vector<16xi32>
      %mul3A_48 = arith.constant -3.12519524E-6 : f32
      %mul3A_49 = vector.broadcast %mul3A_48 : f32 to vector<16xf32>
      %mul3A_50 = arith.mulf %mul3A_49, %add3A_44 : vector<16xf32>
      %mul3A_51 = arith.constant -0.899996876 : f32
      %mul3A_52 = vector.broadcast %mul3A_51 : f32 to vector<16xf32>
      %mul3A_53 = arith.mulf %mul3A_52, %add3A_45 : vector<16xf32>
      %add3A_54 = arith.addf %mul3A_50, %mul3A_53 : vector<16xf32>
      %select_n3A = arith.select %ne3A_47, %add3A_54, %broadcast_in_dim3A_5 : vector<16xi1>, vector<16xf32>
      %add3A_55 = arith.addf %scan3A_15, %select_n3A : vector<16xf32>
      %mul3A_56 = arith.constant 8 : i32
      %mul3A_57 = arith.muli %scan3A_14, %mul3A_56 : i32
      %add3A_58 = arith.constant 1 : i32
      %add3A_59 = arith.addi %mul3A_57, %add3A_58 : i32
      %mul3A_60 = arith.constant 16 : i32
      %mul3A_61 = arith.muli %add3A_59, %mul3A_60 : i32
      %get3A_62 = arith.index_cast %mul3A_61 : i32 to index
      %get3A_63 = tpu.vector_load %arg5[%get3A_62] {strides = array<i32>} : memref<2048xi32, #tpu.memory_space<vmem>>, vector<16xi32>,
      %get3A_64 = vector.shape_cast %get3A_63 : vector<16xi32> to vector<16xi32>
      %add3A_65 = arith.constant 22528 : i32
      %add3A_66 = vector.broadcast %add3A_65 : i32 to vector<16xi32>
      %add3A_67 = arith.addi %add3A_66, %iota3A : vector<16xi32>
      %sub3A_68 = arith.subi %get3A_64, %add3A_67 : vector<16xi32>
      %scan3A_69 = arith.constant 0 : i32
      %scan3A_70 = arith.constant 74 : i32
      %scan3A_71 = arith.addi %scan3A_69, %scan3A_70 : i32
      %scan3A_72 = arith.constant 1 : i32
      %scan3A_73:6 = scf.for %scan3A_301 = %scan3A_69 to %scan3A_71 step %scan3A_72 iter_args(%scan3A_302 = %broadcast_in_dim3A_5, %scan3A_303 = %broadcast_in_dim3A_5, %scan3A_304 = %broadcast_in_dim3A_5, %scan3A_305 = %broadcast_in_dim3A_5, %scan3A_306 = %broadcast_in_dim3A_5, %scan3A_307 = %broadcast_in_dim3A_5) -> (vector<16xf32>, vector<16xf32>, vector<16xf32>, vector<16xf32>, vector<16xf32>, vector<16xf32>)  : i32 {
        %mul3A_308 = arith.constant 8 : i32
        %mul3A_309 = arith.muli %scan3A_301, %mul3A_308 : i32
        %add3A_310 = arith.constant 0 : i32
        %add3A_311 = arith.addi %mul3A_309, %add3A_310 : i32
        %mul3A_312 = arith.constant 16 : i32
        %mul3A_313 = arith.muli %add3A_311, %mul3A_312 : i32
        %get3A_314 = arith.constant 1 : i32
        %get3A_315 = arith.index_cast %get3A_314 : i32 to index
        %get3A_316 = arith.index_cast %mul3A_313 : i32 to index
        %get3A_317 = tpu.vector_load %arg6[%get3A_315, %get3A_316] {strides = array<i32>} : memref<8x9472xf32, #tpu.memory_space<vmem>>, vector<1x16xf32>,
        %get3A_318 = vector.shape_cast %get3A_317 : vector<1x16xf32> to vector<16xf32>
        %add3A_319 = arith.addf %scan3A_302, %get3A_318 : vector<16xf32>
        %mul3A_320 = arith.constant 16 : i32
        %mul3A_321 = arith.muli %add3A_311, %mul3A_320 : i32
        %eq3A = vector.broadcast %mul3A_321 : i32 to vector<16xi32>
        %eq3A_322 = arith.cmpi eq, %sub3A_68, %eq3A : vector<16xi32>
        %jit3A = arith.constant 0.000000e+00 : f32
        %broadcast_in_dim3A_323 = vector.broadcast %jit3A : f32 to vector<16xf32>
        %select_n3A_324 = arith.select %eq3A_322, %get3A_318, %broadcast_in_dim3A_323 : vector<16xi1>, vector<16xf32>
        %add3A_325 = arith.addf %scan3A_306, %select_n3A_324 : vector<16xf32>
        %mul3A_326 = arith.constant 8 : i32
        %mul3A_327 = arith.muli %scan3A_301, %mul3A_326 : i32
        %add3A_328 = arith.constant 1 : i32
        %add3A_329 = arith.addi %mul3A_327, %add3A_328 : i32
        %mul3A_330 = arith.constant 16 : i32
        %mul3A_331 = arith.muli %add3A_329, %mul3A_330 : i32
        %get3A_332 = arith.constant 1 : i32
        %get3A_333 = arith.index_cast %get3A_332 : i32 to index
        %get3A_334 = arith.index_cast %mul3A_331 : i32 to index
        %get3A_335 = tpu.vector_load %arg6[%get3A_333, %get3A_334] {strides = array<i32>} : memref<8x9472xf32, #tpu.memory_space<vmem>>, vector<1x16xf32>,
        %get3A_336 = vector.shape_cast %get3A_335 : vector<1x16xf32> to vector<16xf32>
        %add3A_337 = arith.addf %scan3A_303, %get3A_336 : vector<16xf32>
        %mul3A_338 = arith.constant 16 : i32
        %mul3A_339 = arith.muli %add3A_329, %mul3A_338 : i32
        %eq3A_340 = vector.broadcast %mul3A_339 : i32 to vector<16xi32>
        %eq3A_341 = arith.cmpi eq, %sub3A_68, %eq3A_340 : vector<16xi32>
        %jit3A_342 = arith.constant 0.000000e+00 : f32
        %broadcast_in_dim3A_343 = vector.broadcast %jit3A_342 : f32 to vector<16xf32>
        %select_n3A_344 = arith.select %eq3A_341, %get3A_336, %broadcast_in_dim3A_343 : vector<16xi1>, vector<16xf32>
        %add3A_345 = arith.addf %scan3A_307, %select_n3A_344 : vector<16xf32>
        %mul3A_346 = arith.constant 8 : i32
        %mul3A_347 = arith.muli %scan3A_301, %mul3A_346 : i32
        %add3A_348 = arith.constant 2 : i32
        %add3A_349 = arith.addi %mul3A_347, %add3A_348 : i32
        %mul3A_350 = arith.constant 16 : i32
        %mul3A_351 = arith.muli %add3A_349, %mul3A_350 : i32
        %get3A_352 = arith.constant 1 : i32
        %get3A_353 = arith.index_cast %get3A_352 : i32 to index
        %get3A_354 = arith.index_cast %mul3A_351 : i32 to index
        %get3A_355 = tpu.vector_load %arg6[%get3A_353, %get3A_354] {strides = array<i32>} : memref<8x9472xf32, #tpu.memory_space<vmem>>, vector<1x16xf32>,
        %get3A_356 = vector.shape_cast %get3A_355 : vector<1x16xf32> to vector<16xf32>
        %add3A_357 = arith.addf %scan3A_304, %get3A_356 : vector<16xf32>
        %mul3A_358 = arith.constant 16 : i32
        %mul3A_359 = arith.muli %add3A_349, %mul3A_358 : i32
        %eq3A_360 = vector.broadcast %mul3A_359 : i32 to vector<16xi32>
        %eq3A_361 = arith.cmpi eq, %sub3A_68, %eq3A_360 : vector<16xi32>
        %jit3A_362 = arith.constant 0.000000e+00 : f32
        %broadcast_in_dim3A_363 = vector.broadcast %jit3A_362 : f32 to vector<16xf32>
        %select_n3A_364 = arith.select %eq3A_361, %get3A_356, %broadcast_in_dim3A_363 : vector<16xi1>, vector<16xf32>
        %add3A_365 = arith.addf %add3A_325, %select_n3A_364 : vector<16xf32>
        %mul3A_366 = arith.constant 8 : i32
        %mul3A_367 = arith.muli %scan3A_301, %mul3A_366 : i32
        %add3A_368 = arith.constant 3 : i32
        %add3A_369 = arith.addi %mul3A_367, %add3A_368 : i32
        %mul3A_370 = arith.constant 16 : i32
        %mul3A_371 = arith.muli %add3A_369, %mul3A_370 : i32
        %get3A_372 = arith.constant 1 : i32
        %get3A_373 = arith.index_cast %get3A_372 : i32 to index
        %get3A_374 = arith.index_cast %mul3A_371 : i32 to index
        %get3A_375 = tpu.vector_load %arg6[%get3A_373, %get3A_374] {strides = array<i32>} : memref<8x9472xf32, #tpu.memory_space<vmem>>, vector<1x16xf32>,
        %get3A_376 = vector.shape_cast %get3A_375 : vector<1x16xf32> to vector<16xf32>
        %add3A_377 = arith.addf %scan3A_305, %get3A_376 : vector<16xf32>
        %mul3A_378 = arith.constant 16 : i32
        %mul3A_379 = arith.muli %add3A_369, %mul3A_378 : i32
        %eq3A_380 = vector.broadcast %mul3A_379 : i32 to vector<16xi32>
        %eq3A_381 = arith.cmpi eq, %sub3A_68, %eq3A_380 : vector<16xi32>
        %jit3A_382 = arith.constant 0.000000e+00 : f32
        %broadcast_in_dim3A_383 = vector.broadcast %jit3A_382 : f32 to vector<16xf32>
        %select_n3A_384 = arith.select %eq3A_381, %get3A_376, %broadcast_in_dim3A_383 : vector<16xi1>, vector<16xf32>
        %add3A_385 = arith.addf %add3A_345, %select_n3A_384 : vector<16xf32>
        %mul3A_386 = arith.constant 8 : i32
        %mul3A_387 = arith.muli %scan3A_301, %mul3A_386 : i32
        %add3A_388 = arith.constant 4 : i32
        %add3A_389 = arith.addi %mul3A_387, %add3A_388 : i32
        %mul3A_390 = arith.constant 16 : i32
        %mul3A_391 = arith.muli %add3A_389, %mul3A_390 : i32
        %get3A_392 = arith.constant 1 : i32
        %get3A_393 = arith.index_cast %get3A_392 : i32 to index
        %get3A_394 = arith.index_cast %mul3A_391 : i32 to index
        %get3A_395 = tpu.vector_load %arg6[%get3A_393, %get3A_394] {strides = array<i32>} : memref<8x9472xf32, #tpu.memory_space<vmem>>, vector<1x16xf32>,
        %get3A_396 = vector.shape_cast %get3A_395 : vector<1x16xf32> to vector<16xf32>
        %add3A_397 = arith.addf %add3A_319, %get3A_396 : vector<16xf32>
        %mul3A_398 = arith.constant 16 : i32
        %mul3A_399 = arith.muli %add3A_389, %mul3A_398 : i32
        %eq3A_400 = vector.broadcast %mul3A_399 : i32 to vector<16xi32>
        %eq3A_401 = arith.cmpi eq, %sub3A_68, %eq3A_400 : vector<16xi32>
        %jit3A_402 = arith.constant 0.000000e+00 : f32
        %broadcast_in_dim3A_403 = vector.broadcast %jit3A_402 : f32 to vector<16xf32>
        %select_n3A_404 = arith.select %eq3A_401, %get3A_396, %broadcast_in_dim3A_403 : vector<16xi1>, vector<16xf32>
        %add3A_405 = arith.addf %add3A_365, %select_n3A_404 : vector<16xf32>
        %mul3A_406 = arith.constant 8 : i32
        %mul3A_407 = arith.muli %scan3A_301, %mul3A_406 : i32
        %add3A_408 = arith.constant 5 : i32
        %add3A_409 = arith.addi %mul3A_407, %add3A_408 : i32
        %mul3A_410 = arith.constant 16 : i32
        %mul3A_411 = arith.muli %add3A_409, %mul3A_410 : i32
        %get3A_412 = arith.constant 1 : i32
        %get3A_413 = arith.index_cast %get3A_412 : i32 to index
        %get3A_414 = arith.index_cast %mul3A_411 : i32 to index
        %get3A_415 = tpu.vector_load %arg6[%get3A_413, %get3A_414] {strides = array<i32>} : memref<8x9472xf32, #tpu.memory_space<vmem>>, vector<1x16xf32>,
        %get3A_416 = vector.shape_cast %get3A_415 : vector<1x16xf32> to vector<16xf32>
        %add3A_417 = arith.addf %add3A_337, %get3A_416 : vector<16xf32>
        %mul3A_418 = arith.constant 16 : i32
        %mul3A_419 = arith.muli %add3A_409, %mul3A_418 : i32
        %eq3A_420 = vector.broadcast %mul3A_419 : i32 to vector<16xi32>
        %eq3A_421 = arith.cmpi eq, %sub3A_68, %eq3A_420 : vector<16xi32>
        %jit3A_422 = arith.constant 0.000000e+00 : f32
        %broadcast_in_dim3A_423 = vector.broadcast %jit3A_422 : f32 to vector<16xf32>
        %select_n3A_424 = arith.select %eq3A_421, %get3A_416, %broadcast_in_dim3A_423 : vector<16xi1>, vector<16xf32>
        %add3A_425 = arith.addf %add3A_385, %select_n3A_424 : vector<16xf32>
        %mul3A_426 = arith.constant 8 : i32
        %mul3A_427 = arith.muli %scan3A_301, %mul3A_426 : i32
        %add3A_428 = arith.constant 6 : i32
        %add3A_429 = arith.addi %mul3A_427, %add3A_428 : i32
        %mul3A_430 = arith.constant 16 : i32
        %mul3A_431 = arith.muli %add3A_429, %mul3A_430 : i32
        %get3A_432 = arith.constant 1 : i32
        %get3A_433 = arith.index_cast %get3A_432 : i32 to index
        %get3A_434 = arith.index_cast %mul3A_431 : i32 to index
        %get3A_435 = tpu.vector_load %arg6[%get3A_433, %get3A_434] {strides = array<i32>} : memref<8x9472xf32, #tpu.memory_space<vmem>>, vector<1x16xf32>,
        %get3A_436 = vector.shape_cast %get3A_435 : vector<1x16xf32> to vector<16xf32>
        %add3A_437 = arith.addf %add3A_357, %get3A_436 : vector<16xf32>
        %mul3A_438 = arith.constant 16 : i32
        %mul3A_439 = arith.muli %add3A_429, %mul3A_438 : i32
        %eq3A_440 = vector.broadcast %mul3A_439 : i32 to vector<16xi32>
        %eq3A_441 = arith.cmpi eq, %sub3A_68, %eq3A_440 : vector<16xi32>
        %jit3A_442 = arith.constant 0.000000e+00 : f32
        %broadcast_in_dim3A_443 = vector.broadcast %jit3A_442 : f32 to vector<16xf32>
        %select_n3A_444 = arith.select %eq3A_441, %get3A_436, %broadcast_in_dim3A_443 : vector<16xi1>, vector<16xf32>
        %add3A_445 = arith.addf %add3A_405, %select_n3A_444 : vector<16xf32>
        %mul3A_446 = arith.constant 8 : i32
        %mul3A_447 = arith.muli %scan3A_301, %mul3A_446 : i32
        %add3A_448 = arith.constant 7 : i32
        %add3A_449 = arith.addi %mul3A_447, %add3A_448 : i32
        %mul3A_450 = arith.constant 16 : i32
        %mul3A_451 = arith.muli %add3A_449, %mul3A_450 : i32
        %get3A_452 = arith.constant 1 : i32
        %get3A_453 = arith.index_cast %get3A_452 : i32 to index
        %get3A_454 = arith.index_cast %mul3A_451 : i32 to index
        %get3A_455 = tpu.vector_load %arg6[%get3A_453, %get3A_454] {strides = array<i32>} : memref<8x9472xf32, #tpu.memory_space<vmem>>, vector<1x16xf32>,
        %get3A_456 = vector.shape_cast %get3A_455 : vector<1x16xf32> to vector<16xf32>
        %add3A_457 = arith.addf %add3A_377, %get3A_456 : vector<16xf32>
        %mul3A_458 = arith.constant 16 : i32
        %mul3A_459 = arith.muli %add3A_449, %mul3A_458 : i32
        %eq3A_460 = vector.broadcast %mul3A_459 : i32 to vector<16xi32>
        %eq3A_461 = arith.cmpi eq, %sub3A_68, %eq3A_460 : vector<16xi32>
        %jit3A_462 = arith.constant 0.000000e+00 : f32
        %broadcast_in_dim3A_463 = vector.broadcast %jit3A_462 : f32 to vector<16xf32>
        %select_n3A_464 = arith.select %eq3A_461, %get3A_456, %broadcast_in_dim3A_463 : vector<16xi1>, vector<16xf32>
        %add3A_465 = arith.addf %add3A_425, %select_n3A_464 : vector<16xf32>
        scf.yield %add3A_397, %add3A_417, %add3A_437, %add3A_457, %add3A_445, %add3A_465 : vector<16xf32>, vector<16xf32>, vector<16xf32>, vector<16xf32>, vector<16xf32>, vector<16xf32>
      }
      %scan3A_74 = arith.constant 74 : i32
      %add3A_75 = arith.addf %scan3A_73#0, %scan3A_73#1 : vector<16xf32>
      %add3A_76 = arith.addf %add3A_75, %scan3A_73#2 : vector<16xf32>
      %add3A_77 = arith.addf %add3A_76, %scan3A_73#3 : vector<16xf32>
      %add3A_78 = arith.addf %scan3A_73#4, %scan3A_73#5 : vector<16xf32>
      %ne3A_79 = arith.constant 0 : i32
      %ne3A_80 = vector.broadcast %ne3A_79 : i32 to vector<16xi32>
      %ne3A_81 = arith.cmpi ne, %get3A_64, %ne3A_80 : vector<16xi32>
      %mul3A_82 = arith.constant -3.12519524E-6 : f32
      %mul3A_83 = vector.broadcast %mul3A_82 : f32 to vector<16xf32>
      %mul3A_84 = arith.mulf %mul3A_83, %add3A_77 : vector<16xf32>
      %mul3A_85 = arith.constant -0.899996876 : f32
      %mul3A_86 = vector.broadcast %mul3A_85 : f32 to vector<16xf32>
      %mul3A_87 = arith.mulf %mul3A_86, %add3A_78 : vector<16xf32>
      %add3A_88 = arith.addf %mul3A_84, %mul3A_87 : vector<16xf32>
      %select_n3A_89 = arith.select %ne3A_81, %add3A_88, %broadcast_in_dim3A_5 : vector<16xi1>, vector<16xf32>
      %add3A_90 = arith.addf %add3A_55, %select_n3A_89 : vector<16xf32>
      %mul3A_91 = arith.constant 8 : i32
      %mul3A_92 = arith.muli %scan3A_14, %mul3A_91 : i32
      %add3A_93 = arith.constant 2 : i32
      %add3A_94 = arith.addi %mul3A_92, %add3A_93 : i32
      %mul3A_95 = arith.constant 16 : i32
      %mul3A_96 = arith.muli %add3A_94, %mul3A_95 : i32
      %get3A_97 = arith.index_cast %mul3A_96 : i32 to index
      %get3A_98 = tpu.vector_load %arg5[%get3A_97] {strides = array<i32>} : memref<2048xi32, #tpu.memory_space<vmem>>, vector<16xi32>,
      %get3A_99 = vector.shape_cast %get3A_98 : vector<16xi32> to vector<16xi32>
      %add3A_100 = arith.constant 22528 : i32
      %add3A_101 = vector.broadcast %add3A_100 : i32 to vector<16xi32>
      %add3A_102 = arith.addi %add3A_101, %iota3A : vector<16xi32>
      %sub3A_103 = arith.subi %get3A_99, %add3A_102 : vector<16xi32>
      %scan3A_104 = arith.constant 0 : i32
      %scan3A_105 = arith.constant 74 : i32
      %scan3A_106 = arith.addi %scan3A_104, %scan3A_105 : i32
      %scan3A_107 = arith.constant 1 : i32
      %scan3A_108:6 = scf.for %scan3A_301 = %scan3A_104 to %scan3A_106 step %scan3A_107 iter_args(%scan3A_302 = %broadcast_in_dim3A_5, %scan3A_303 = %broadcast_in_dim3A_5, %scan3A_304 = %broadcast_in_dim3A_5, %scan3A_305 = %broadcast_in_dim3A_5, %scan3A_306 = %broadcast_in_dim3A_5, %scan3A_307 = %broadcast_in_dim3A_5) -> (vector<16xf32>, vector<16xf32>, vector<16xf32>, vector<16xf32>, vector<16xf32>, vector<16xf32>)  : i32 {
        %mul3A_308 = arith.constant 8 : i32
        %mul3A_309 = arith.muli %scan3A_301, %mul3A_308 : i32
        %add3A_310 = arith.constant 0 : i32
        %add3A_311 = arith.addi %mul3A_309, %add3A_310 : i32
        %mul3A_312 = arith.constant 16 : i32
        %mul3A_313 = arith.muli %add3A_311, %mul3A_312 : i32
        %get3A_314 = arith.constant 2 : i32
        %get3A_315 = arith.index_cast %get3A_314 : i32 to index
        %get3A_316 = arith.index_cast %mul3A_313 : i32 to index
        %get3A_317 = tpu.vector_load %arg6[%get3A_315, %get3A_316] {strides = array<i32>} : memref<8x9472xf32, #tpu.memory_space<vmem>>, vector<1x16xf32>,
        %get3A_318 = vector.shape_cast %get3A_317 : vector<1x16xf32> to vector<16xf32>
        %add3A_319 = arith.addf %scan3A_302, %get3A_318 : vector<16xf32>
        %mul3A_320 = arith.constant 16 : i32
        %mul3A_321 = arith.muli %add3A_311, %mul3A_320 : i32
        %eq3A = vector.broadcast %mul3A_321 : i32 to vector<16xi32>
        %eq3A_322 = arith.cmpi eq, %sub3A_103, %eq3A : vector<16xi32>
        %jit3A = arith.constant 0.000000e+00 : f32
        %broadcast_in_dim3A_323 = vector.broadcast %jit3A : f32 to vector<16xf32>
        %select_n3A_324 = arith.select %eq3A_322, %get3A_318, %broadcast_in_dim3A_323 : vector<16xi1>, vector<16xf32>
        %add3A_325 = arith.addf %scan3A_306, %select_n3A_324 : vector<16xf32>
        %mul3A_326 = arith.constant 8 : i32
        %mul3A_327 = arith.muli %scan3A_301, %mul3A_326 : i32
        %add3A_328 = arith.constant 1 : i32
        %add3A_329 = arith.addi %mul3A_327, %add3A_328 : i32
        %mul3A_330 = arith.constant 16 : i32
        %mul3A_331 = arith.muli %add3A_329, %mul3A_330 : i32
        %get3A_332 = arith.constant 2 : i32
        %get3A_333 = arith.index_cast %get3A_332 : i32 to index
        %get3A_334 = arith.index_cast %mul3A_331 : i32 to index
        %get3A_335 = tpu.vector_load %arg6[%get3A_333, %get3A_334] {strides = array<i32>} : memref<8x9472xf32, #tpu.memory_space<vmem>>, vector<1x16xf32>,
        %get3A_336 = vector.shape_cast %get3A_335 : vector<1x16xf32> to vector<16xf32>
        %add3A_337 = arith.addf %scan3A_303, %get3A_336 : vector<16xf32>
        %mul3A_338 = arith.constant 16 : i32
        %mul3A_339 = arith.muli %add3A_329, %mul3A_338 : i32
        %eq3A_340 = vector.broadcast %mul3A_339 : i32 to vector<16xi32>
        %eq3A_341 = arith.cmpi eq, %sub3A_103, %eq3A_340 : vector<16xi32>
        %jit3A_342 = arith.constant 0.000000e+00 : f32
        %broadcast_in_dim3A_343 = vector.broadcast %jit3A_342 : f32 to vector<16xf32>
        %select_n3A_344 = arith.select %eq3A_341, %get3A_336, %broadcast_in_dim3A_343 : vector<16xi1>, vector<16xf32>
        %add3A_345 = arith.addf %scan3A_307, %select_n3A_344 : vector<16xf32>
        %mul3A_346 = arith.constant 8 : i32
        %mul3A_347 = arith.muli %scan3A_301, %mul3A_346 : i32
        %add3A_348 = arith.constant 2 : i32
        %add3A_349 = arith.addi %mul3A_347, %add3A_348 : i32
        %mul3A_350 = arith.constant 16 : i32
        %mul3A_351 = arith.muli %add3A_349, %mul3A_350 : i32
        %get3A_352 = arith.constant 2 : i32
        %get3A_353 = arith.index_cast %get3A_352 : i32 to index
        %get3A_354 = arith.index_cast %mul3A_351 : i32 to index
        %get3A_355 = tpu.vector_load %arg6[%get3A_353, %get3A_354] {strides = array<i32>} : memref<8x9472xf32, #tpu.memory_space<vmem>>, vector<1x16xf32>,
        %get3A_356 = vector.shape_cast %get3A_355 : vector<1x16xf32> to vector<16xf32>
        %add3A_357 = arith.addf %scan3A_304, %get3A_356 : vector<16xf32>
        %mul3A_358 = arith.constant 16 : i32
        %mul3A_359 = arith.muli %add3A_349, %mul3A_358 : i32
        %eq3A_360 = vector.broadcast %mul3A_359 : i32 to vector<16xi32>
        %eq3A_361 = arith.cmpi eq, %sub3A_103, %eq3A_360 : vector<16xi32>
        %jit3A_362 = arith.constant 0.000000e+00 : f32
        %broadcast_in_dim3A_363 = vector.broadcast %jit3A_362 : f32 to vector<16xf32>
        %select_n3A_364 = arith.select %eq3A_361, %get3A_356, %broadcast_in_dim3A_363 : vector<16xi1>, vector<16xf32>
        %add3A_365 = arith.addf %add3A_325, %select_n3A_364 : vector<16xf32>
        %mul3A_366 = arith.constant 8 : i32
        %mul3A_367 = arith.muli %scan3A_301, %mul3A_366 : i32
        %add3A_368 = arith.constant 3 : i32
        %add3A_369 = arith.addi %mul3A_367, %add3A_368 : i32
        %mul3A_370 = arith.constant 16 : i32
        %mul3A_371 = arith.muli %add3A_369, %mul3A_370 : i32
        %get3A_372 = arith.constant 2 : i32
        %get3A_373 = arith.index_cast %get3A_372 : i32 to index
        %get3A_374 = arith.index_cast %mul3A_371 : i32 to index
        %get3A_375 = tpu.vector_load %arg6[%get3A_373, %get3A_374] {strides = array<i32>} : memref<8x9472xf32, #tpu.memory_space<vmem>>, vector<1x16xf32>,
        %get3A_376 = vector.shape_cast %get3A_375 : vector<1x16xf32> to vector<16xf32>
        %add3A_377 = arith.addf %scan3A_305, %get3A_376 : vector<16xf32>
        %mul3A_378 = arith.constant 16 : i32
        %mul3A_379 = arith.muli %add3A_369, %mul3A_378 : i32
        %eq3A_380 = vector.broadcast %mul3A_379 : i32 to vector<16xi32>
        %eq3A_381 = arith.cmpi eq, %sub3A_103, %eq3A_380 : vector<16xi32>
        %jit3A_382 = arith.constant 0.000000e+00 : f32
        %broadcast_in_dim3A_383 = vector.broadcast %jit3A_382 : f32 to vector<16xf32>
        %select_n3A_384 = arith.select %eq3A_381, %get3A_376, %broadcast_in_dim3A_383 : vector<16xi1>, vector<16xf32>
        %add3A_385 = arith.addf %add3A_345, %select_n3A_384 : vector<16xf32>
        %mul3A_386 = arith.constant 8 : i32
        %mul3A_387 = arith.muli %scan3A_301, %mul3A_386 : i32
        %add3A_388 = arith.constant 4 : i32
        %add3A_389 = arith.addi %mul3A_387, %add3A_388 : i32
        %mul3A_390 = arith.constant 16 : i32
        %mul3A_391 = arith.muli %add3A_389, %mul3A_390 : i32
        %get3A_392 = arith.constant 2 : i32
        %get3A_393 = arith.index_cast %get3A_392 : i32 to index
        %get3A_394 = arith.index_cast %mul3A_391 : i32 to index
        %get3A_395 = tpu.vector_load %arg6[%get3A_393, %get3A_394] {strides = array<i32>} : memref<8x9472xf32, #tpu.memory_space<vmem>>, vector<1x16xf32>,
        %get3A_396 = vector.shape_cast %get3A_395 : vector<1x16xf32> to vector<16xf32>
        %add3A_397 = arith.addf %add3A_319, %get3A_396 : vector<16xf32>
        %mul3A_398 = arith.constant 16 : i32
        %mul3A_399 = arith.muli %add3A_389, %mul3A_398 : i32
        %eq3A_400 = vector.broadcast %mul3A_399 : i32 to vector<16xi32>
        %eq3A_401 = arith.cmpi eq, %sub3A_103, %eq3A_400 : vector<16xi32>
        %jit3A_402 = arith.constant 0.000000e+00 : f32
        %broadcast_in_dim3A_403 = vector.broadcast %jit3A_402 : f32 to vector<16xf32>
        %select_n3A_404 = arith.select %eq3A_401, %get3A_396, %broadcast_in_dim3A_403 : vector<16xi1>, vector<16xf32>
        %add3A_405 = arith.addf %add3A_365, %select_n3A_404 : vector<16xf32>
        %mul3A_406 = arith.constant 8 : i32
        %mul3A_407 = arith.muli %scan3A_301, %mul3A_406 : i32
        %add3A_408 = arith.constant 5 : i32
        %add3A_409 = arith.addi %mul3A_407, %add3A_408 : i32
        %mul3A_410 = arith.constant 16 : i32
        %mul3A_411 = arith.muli %add3A_409, %mul3A_410 : i32
        %get3A_412 = arith.constant 2 : i32
        %get3A_413 = arith.index_cast %get3A_412 : i32 to index
        %get3A_414 = arith.index_cast %mul3A_411 : i32 to index
        %get3A_415 = tpu.vector_load %arg6[%get3A_413, %get3A_414] {strides = array<i32>} : memref<8x9472xf32, #tpu.memory_space<vmem>>, vector<1x16xf32>,
        %get3A_416 = vector.shape_cast %get3A_415 : vector<1x16xf32> to vector<16xf32>
        %add3A_417 = arith.addf %add3A_337, %get3A_416 : vector<16xf32>
        %mul3A_418 = arith.constant 16 : i32
        %mul3A_419 = arith.muli %add3A_409, %mul3A_418 : i32
        %eq3A_420 = vector.broadcast %mul3A_419 : i32 to vector<16xi32>
        %eq3A_421 = arith.cmpi eq, %sub3A_103, %eq3A_420 : vector<16xi32>
        %jit3A_422 = arith.constant 0.000000e+00 : f32
        %broadcast_in_dim3A_423 = vector.broadcast %jit3A_422 : f32 to vector<16xf32>
        %select_n3A_424 = arith.select %eq3A_421, %get3A_416, %broadcast_in_dim3A_423 : vector<16xi1>, vector<16xf32>
        %add3A_425 = arith.addf %add3A_385, %select_n3A_424 : vector<16xf32>
        %mul3A_426 = arith.constant 8 : i32
        %mul3A_427 = arith.muli %scan3A_301, %mul3A_426 : i32
        %add3A_428 = arith.constant 6 : i32
        %add3A_429 = arith.addi %mul3A_427, %add3A_428 : i32
        %mul3A_430 = arith.constant 16 : i32
        %mul3A_431 = arith.muli %add3A_429, %mul3A_430 : i32
        %get3A_432 = arith.constant 2 : i32
        %get3A_433 = arith.index_cast %get3A_432 : i32 to index
        %get3A_434 = arith.index_cast %mul3A_431 : i32 to index
        %get3A_435 = tpu.vector_load %arg6[%get3A_433, %get3A_434] {strides = array<i32>} : memref<8x9472xf32, #tpu.memory_space<vmem>>, vector<1x16xf32>,
        %get3A_436 = vector.shape_cast %get3A_435 : vector<1x16xf32> to vector<16xf32>
        %add3A_437 = arith.addf %add3A_357, %get3A_436 : vector<16xf32>
        %mul3A_438 = arith.constant 16 : i32
        %mul3A_439 = arith.muli %add3A_429, %mul3A_438 : i32
        %eq3A_440 = vector.broadcast %mul3A_439 : i32 to vector<16xi32>
        %eq3A_441 = arith.cmpi eq, %sub3A_103, %eq3A_440 : vector<16xi32>
        %jit3A_442 = arith.constant 0.000000e+00 : f32
        %broadcast_in_dim3A_443 = vector.broadcast %jit3A_442 : f32 to vector<16xf32>
        %select_n3A_444 = arith.select %eq3A_441, %get3A_436, %broadcast_in_dim3A_443 : vector<16xi1>, vector<16xf32>
        %add3A_445 = arith.addf %add3A_405, %select_n3A_444 : vector<16xf32>
        %mul3A_446 = arith.constant 8 : i32
        %mul3A_447 = arith.muli %scan3A_301, %mul3A_446 : i32
        %add3A_448 = arith.constant 7 : i32
        %add3A_449 = arith.addi %mul3A_447, %add3A_448 : i32
        %mul3A_450 = arith.constant 16 : i32
        %mul3A_451 = arith.muli %add3A_449, %mul3A_450 : i32
        %get3A_452 = arith.constant 2 : i32
        %get3A_453 = arith.index_cast %get3A_452 : i32 to index
        %get3A_454 = arith.index_cast %mul3A_451 : i32 to index
        %get3A_455 = tpu.vector_load %arg6[%get3A_453, %get3A_454] {strides = array<i32>} : memref<8x9472xf32, #tpu.memory_space<vmem>>, vector<1x16xf32>,
        %get3A_456 = vector.shape_cast %get3A_455 : vector<1x16xf32> to vector<16xf32>
        %add3A_457 = arith.addf %add3A_377, %get3A_456 : vector<16xf32>
        %mul3A_458 = arith.constant 16 : i32
        %mul3A_459 = arith.muli %add3A_449, %mul3A_458 : i32
        %eq3A_460 = vector.broadcast %mul3A_459 : i32 to vector<16xi32>
        %eq3A_461 = arith.cmpi eq, %sub3A_103, %eq3A_460 : vector<16xi32>
        %jit3A_462 = arith.constant 0.000000e+00 : f32
        %broadcast_in_dim3A_463 = vector.broadcast %jit3A_462 : f32 to vector<16xf32>
        %select_n3A_464 = arith.select %eq3A_461, %get3A_456, %broadcast_in_dim3A_463 : vector<16xi1>, vector<16xf32>
        %add3A_465 = arith.addf %add3A_425, %select_n3A_464 : vector<16xf32>
        scf.yield %add3A_397, %add3A_417, %add3A_437, %add3A_457, %add3A_445, %add3A_465 : vector<16xf32>, vector<16xf32>, vector<16xf32>, vector<16xf32>, vector<16xf32>, vector<16xf32>
      }
      %scan3A_109 = arith.constant 74 : i32
      %add3A_110 = arith.addf %scan3A_108#0, %scan3A_108#1 : vector<16xf32>
      %add3A_111 = arith.addf %add3A_110, %scan3A_108#2 : vector<16xf32>
      %add3A_112 = arith.addf %add3A_111, %scan3A_108#3 : vector<16xf32>
      %add3A_113 = arith.addf %scan3A_108#4, %scan3A_108#5 : vector<16xf32>
      %ne3A_114 = arith.constant 0 : i32
      %ne3A_115 = vector.broadcast %ne3A_114 : i32 to vector<16xi32>
      %ne3A_116 = arith.cmpi ne, %get3A_99, %ne3A_115 : vector<16xi32>
      %mul3A_117 = arith.constant -3.12519524E-6 : f32
      %mul3A_118 = vector.broadcast %mul3A_117 : f32 to vector<16xf32>
      %mul3A_119 = arith.mulf %mul3A_118, %add3A_112 : vector<16xf32>
      %mul3A_120 = arith.constant -0.899996876 : f32
      %mul3A_121 = vector.broadcast %mul3A_120 : f32 to vector<16xf32>
      %mul3A_122 = arith.mulf %mul3A_121, %add3A_113 : vector<16xf32>
      %add3A_123 = arith.addf %mul3A_119, %mul3A_122 : vector<16xf32>
      %select_n3A_124 = arith.select %ne3A_116, %add3A_123, %broadcast_in_dim3A_5 : vector<16xi1>, vector<16xf32>
      %add3A_125 = arith.addf %add3A_90, %select_n3A_124 : vector<16xf32>
      %mul3A_126 = arith.constant 8 : i32
      %mul3A_127 = arith.muli %scan3A_14, %mul3A_126 : i32
      %add3A_128 = arith.constant 3 : i32
      %add3A_129 = arith.addi %mul3A_127, %add3A_128 : i32
      %mul3A_130 = arith.constant 16 : i32
      %mul3A_131 = arith.muli %add3A_129, %mul3A_130 : i32
      %get3A_132 = arith.index_cast %mul3A_131 : i32 to index
      %get3A_133 = tpu.vector_load %arg5[%get3A_132] {strides = array<i32>} : memref<2048xi32, #tpu.memory_space<vmem>>, vector<16xi32>,
      %get3A_134 = vector.shape_cast %get3A_133 : vector<16xi32> to vector<16xi32>
      %add3A_135 = arith.constant 22528 : i32
      %add3A_136 = vector.broadcast %add3A_135 : i32 to vector<16xi32>
      %add3A_137 = arith.addi %add3A_136, %iota3A : vector<16xi32>
      %sub3A_138 = arith.subi %get3A_134, %add3A_137 : vector<16xi32>
      %scan3A_139 = arith.constant 0 : i32
      %scan3A_140 = arith.constant 74 : i32
      %scan3A_141 = arith.addi %scan3A_139, %scan3A_140 : i32
      %scan3A_142 = arith.constant 1 : i32
      %scan3A_143:6 = scf.for %scan3A_301 = %scan3A_139 to %scan3A_141 step %scan3A_142 iter_args(%scan3A_302 = %broadcast_in_dim3A_5, %scan3A_303 = %broadcast_in_dim3A_5, %scan3A_304 = %broadcast_in_dim3A_5, %scan3A_305 = %broadcast_in_dim3A_5, %scan3A_306 = %broadcast_in_dim3A_5, %scan3A_307 = %broadcast_in_dim3A_5) -> (vector<16xf32>, vector<16xf32>, vector<16xf32>, vector<16xf32>, vector<16xf32>, vector<16xf32>)  : i32 {
        %mul3A_308 = arith.constant 8 : i32
        %mul3A_309 = arith.muli %scan3A_301, %mul3A_308 : i32
        %add3A_310 = arith.constant 0 : i32
        %add3A_311 = arith.addi %mul3A_309, %add3A_310 : i32
        %mul3A_312 = arith.constant 16 : i32
        %mul3A_313 = arith.muli %add3A_311, %mul3A_312 : i32
        %get3A_314 = arith.constant 3 : i32
        %get3A_315 = arith.index_cast %get3A_314 : i32 to index
        %get3A_316 = arith.index_cast %mul3A_313 : i32 to index
        %get3A_317 = tpu.vector_load %arg6[%get3A_315, %get3A_316] {strides = array<i32>} : memref<8x9472xf32, #tpu.memory_space<vmem>>, vector<1x16xf32>,
        %get3A_318 = vector.shape_cast %get3A_317 : vector<1x16xf32> to vector<16xf32>
        %add3A_319 = arith.addf %scan3A_302, %get3A_318 : vector<16xf32>
        %mul3A_320 = arith.constant 16 : i32
        %mul3A_321 = arith.muli %add3A_311, %mul3A_320 : i32
        %eq3A = vector.broadcast %mul3A_321 : i32 to vector<16xi32>
        %eq3A_322 = arith.cmpi eq, %sub3A_138, %eq3A : vector<16xi32>
        %jit3A = arith.constant 0.000000e+00 : f32
        %broadcast_in_dim3A_323 = vector.broadcast %jit3A : f32 to vector<16xf32>
        %select_n3A_324 = arith.select %eq3A_322, %get3A_318, %broadcast_in_dim3A_323 : vector<16xi1>, vector<16xf32>
        %add3A_325 = arith.addf %scan3A_306, %select_n3A_324 : vector<16xf32>
        %mul3A_326 = arith.constant 8 : i32
        %mul3A_327 = arith.muli %scan3A_301, %mul3A_326 : i32
        %add3A_328 = arith.constant 1 : i32
        %add3A_329 = arith.addi %mul3A_327, %add3A_328 : i32
        %mul3A_330 = arith.constant 16 : i32
        %mul3A_331 = arith.muli %add3A_329, %mul3A_330 : i32
        %get3A_332 = arith.constant 3 : i32
        %get3A_333 = arith.index_cast %get3A_332 : i32 to index
        %get3A_334 = arith.index_cast %mul3A_331 : i32 to index
        %get3A_335 = tpu.vector_load %arg6[%get3A_333, %get3A_334] {strides = array<i32>} : memref<8x9472xf32, #tpu.memory_space<vmem>>, vector<1x16xf32>,
        %get3A_336 = vector.shape_cast %get3A_335 : vector<1x16xf32> to vector<16xf32>
        %add3A_337 = arith.addf %scan3A_303, %get3A_336 : vector<16xf32>
        %mul3A_338 = arith.constant 16 : i32
        %mul3A_339 = arith.muli %add3A_329, %mul3A_338 : i32
        %eq3A_340 = vector.broadcast %mul3A_339 : i32 to vector<16xi32>
        %eq3A_341 = arith.cmpi eq, %sub3A_138, %eq3A_340 : vector<16xi32>
        %jit3A_342 = arith.constant 0.000000e+00 : f32
        %broadcast_in_dim3A_343 = vector.broadcast %jit3A_342 : f32 to vector<16xf32>
        %select_n3A_344 = arith.select %eq3A_341, %get3A_336, %broadcast_in_dim3A_343 : vector<16xi1>, vector<16xf32>
        %add3A_345 = arith.addf %scan3A_307, %select_n3A_344 : vector<16xf32>
        %mul3A_346 = arith.constant 8 : i32
        %mul3A_347 = arith.muli %scan3A_301, %mul3A_346 : i32
        %add3A_348 = arith.constant 2 : i32
        %add3A_349 = arith.addi %mul3A_347, %add3A_348 : i32
        %mul3A_350 = arith.constant 16 : i32
        %mul3A_351 = arith.muli %add3A_349, %mul3A_350 : i32
        %get3A_352 = arith.constant 3 : i32
        %get3A_353 = arith.index_cast %get3A_352 : i32 to index
        %get3A_354 = arith.index_cast %mul3A_351 : i32 to index
        %get3A_355 = tpu.vector_load %arg6[%get3A_353, %get3A_354] {strides = array<i32>} : memref<8x9472xf32, #tpu.memory_space<vmem>>, vector<1x16xf32>,
        %get3A_356 = vector.shape_cast %get3A_355 : vector<1x16xf32> to vector<16xf32>
        %add3A_357 = arith.addf %scan3A_304, %get3A_356 : vector<16xf32>
        %mul3A_358 = arith.constant 16 : i32
        %mul3A_359 = arith.muli %add3A_349, %mul3A_358 : i32
        %eq3A_360 = vector.broadcast %mul3A_359 : i32 to vector<16xi32>
        %eq3A_361 = arith.cmpi eq, %sub3A_138, %eq3A_360 : vector<16xi32>
        %jit3A_362 = arith.constant 0.000000e+00 : f32
        %broadcast_in_dim3A_363 = vector.broadcast %jit3A_362 : f32 to vector<16xf32>
        %select_n3A_364 = arith.select %eq3A_361, %get3A_356, %broadcast_in_dim3A_363 : vector<16xi1>, vector<16xf32>
        %add3A_365 = arith.addf %add3A_325, %select_n3A_364 : vector<16xf32>
        %mul3A_366 = arith.constant 8 : i32
        %mul3A_367 = arith.muli %scan3A_301, %mul3A_366 : i32
        %add3A_368 = arith.constant 3 : i32
        %add3A_369 = arith.addi %mul3A_367, %add3A_368 : i32
        %mul3A_370 = arith.constant 16 : i32
        %mul3A_371 = arith.muli %add3A_369, %mul3A_370 : i32
        %get3A_372 = arith.constant 3 : i32
        %get3A_373 = arith.index_cast %get3A_372 : i32 to index
        %get3A_374 = arith.index_cast %mul3A_371 : i32 to index
        %get3A_375 = tpu.vector_load %arg6[%get3A_373, %get3A_374] {strides = array<i32>} : memref<8x9472xf32, #tpu.memory_space<vmem>>, vector<1x16xf32>,
        %get3A_376 = vector.shape_cast %get3A_375 : vector<1x16xf32> to vector<16xf32>
        %add3A_377 = arith.addf %scan3A_305, %get3A_376 : vector<16xf32>
        %mul3A_378 = arith.constant 16 : i32
        %mul3A_379 = arith.muli %add3A_369, %mul3A_378 : i32
        %eq3A_380 = vector.broadcast %mul3A_379 : i32 to vector<16xi32>
        %eq3A_381 = arith.cmpi eq, %sub3A_138, %eq3A_380 : vector<16xi32>
        %jit3A_382 = arith.constant 0.000000e+00 : f32
        %broadcast_in_dim3A_383 = vector.broadcast %jit3A_382 : f32 to vector<16xf32>
        %select_n3A_384 = arith.select %eq3A_381, %get3A_376, %broadcast_in_dim3A_383 : vector<16xi1>, vector<16xf32>
        %add3A_385 = arith.addf %add3A_345, %select_n3A_384 : vector<16xf32>
        %mul3A_386 = arith.constant 8 : i32
        %mul3A_387 = arith.muli %scan3A_301, %mul3A_386 : i32
        %add3A_388 = arith.constant 4 : i32
        %add3A_389 = arith.addi %mul3A_387, %add3A_388 : i32
        %mul3A_390 = arith.constant 16 : i32
        %mul3A_391 = arith.muli %add3A_389, %mul3A_390 : i32
        %get3A_392 = arith.constant 3 : i32
        %get3A_393 = arith.index_cast %get3A_392 : i32 to index
        %get3A_394 = arith.index_cast %mul3A_391 : i32 to index
        %get3A_395 = tpu.vector_load %arg6[%get3A_393, %get3A_394] {strides = array<i32>} : memref<8x9472xf32, #tpu.memory_space<vmem>>, vector<1x16xf32>,
        %get3A_396 = vector.shape_cast %get3A_395 : vector<1x16xf32> to vector<16xf32>
        %add3A_397 = arith.addf %add3A_319, %get3A_396 : vector<16xf32>
        %mul3A_398 = arith.constant 16 : i32
        %mul3A_399 = arith.muli %add3A_389, %mul3A_398 : i32
        %eq3A_400 = vector.broadcast %mul3A_399 : i32 to vector<16xi32>
        %eq3A_401 = arith.cmpi eq, %sub3A_138, %eq3A_400 : vector<16xi32>
        %jit3A_402 = arith.constant 0.000000e+00 : f32
        %broadcast_in_dim3A_403 = vector.broadcast %jit3A_402 : f32 to vector<16xf32>
        %select_n3A_404 = arith.select %eq3A_401, %get3A_396, %broadcast_in_dim3A_403 : vector<16xi1>, vector<16xf32>
        %add3A_405 = arith.addf %add3A_365, %select_n3A_404 : vector<16xf32>
        %mul3A_406 = arith.constant 8 : i32
        %mul3A_407 = arith.muli %scan3A_301, %mul3A_406 : i32
        %add3A_408 = arith.constant 5 : i32
        %add3A_409 = arith.addi %mul3A_407, %add3A_408 : i32
        %mul3A_410 = arith.constant 16 : i32
        %mul3A_411 = arith.muli %add3A_409, %mul3A_410 : i32
        %get3A_412 = arith.constant 3 : i32
        %get3A_413 = arith.index_cast %get3A_412 : i32 to index
        %get3A_414 = arith.index_cast %mul3A_411 : i32 to index
        %get3A_415 = tpu.vector_load %arg6[%get3A_413, %get3A_414] {strides = array<i32>} : memref<8x9472xf32, #tpu.memory_space<vmem>>, vector<1x16xf32>,
        %get3A_416 = vector.shape_cast %get3A_415 : vector<1x16xf32> to vector<16xf32>
        %add3A_417 = arith.addf %add3A_337, %get3A_416 : vector<16xf32>
        %mul3A_418 = arith.constant 16 : i32
        %mul3A_419 = arith.muli %add3A_409, %mul3A_418 : i32
        %eq3A_420 = vector.broadcast %mul3A_419 : i32 to vector<16xi32>
        %eq3A_421 = arith.cmpi eq, %sub3A_138, %eq3A_420 : vector<16xi32>
        %jit3A_422 = arith.constant 0.000000e+00 : f32
        %broadcast_in_dim3A_423 = vector.broadcast %jit3A_422 : f32 to vector<16xf32>
        %select_n3A_424 = arith.select %eq3A_421, %get3A_416, %broadcast_in_dim3A_423 : vector<16xi1>, vector<16xf32>
        %add3A_425 = arith.addf %add3A_385, %select_n3A_424 : vector<16xf32>
        %mul3A_426 = arith.constant 8 : i32
        %mul3A_427 = arith.muli %scan3A_301, %mul3A_426 : i32
        %add3A_428 = arith.constant 6 : i32
        %add3A_429 = arith.addi %mul3A_427, %add3A_428 : i32
        %mul3A_430 = arith.constant 16 : i32
        %mul3A_431 = arith.muli %add3A_429, %mul3A_430 : i32
        %get3A_432 = arith.constant 3 : i32
        %get3A_433 = arith.index_cast %get3A_432 : i32 to index
        %get3A_434 = arith.index_cast %mul3A_431 : i32 to index
        %get3A_435 = tpu.vector_load %arg6[%get3A_433, %get3A_434] {strides = array<i32>} : memref<8x9472xf32, #tpu.memory_space<vmem>>, vector<1x16xf32>,
        %get3A_436 = vector.shape_cast %get3A_435 : vector<1x16xf32> to vector<16xf32>
        %add3A_437 = arith.addf %add3A_357, %get3A_436 : vector<16xf32>
        %mul3A_438 = arith.constant 16 : i32
        %mul3A_439 = arith.muli %add3A_429, %mul3A_438 : i32
        %eq3A_440 = vector.broadcast %mul3A_439 : i32 to vector<16xi32>
        %eq3A_441 = arith.cmpi eq, %sub3A_138, %eq3A_440 : vector<16xi32>
        %jit3A_442 = arith.constant 0.000000e+00 : f32
        %broadcast_in_dim3A_443 = vector.broadcast %jit3A_442 : f32 to vector<16xf32>
        %select_n3A_444 = arith.select %eq3A_441, %get3A_436, %broadcast_in_dim3A_443 : vector<16xi1>, vector<16xf32>
        %add3A_445 = arith.addf %add3A_405, %select_n3A_444 : vector<16xf32>
        %mul3A_446 = arith.constant 8 : i32
        %mul3A_447 = arith.muli %scan3A_301, %mul3A_446 : i32
        %add3A_448 = arith.constant 7 : i32
        %add3A_449 = arith.addi %mul3A_447, %add3A_448 : i32
        %mul3A_450 = arith.constant 16 : i32
        %mul3A_451 = arith.muli %add3A_449, %mul3A_450 : i32
        %get3A_452 = arith.constant 3 : i32
        %get3A_453 = arith.index_cast %get3A_452 : i32 to index
        %get3A_454 = arith.index_cast %mul3A_451 : i32 to index
        %get3A_455 = tpu.vector_load %arg6[%get3A_453, %get3A_454] {strides = array<i32>} : memref<8x9472xf32, #tpu.memory_space<vmem>>, vector<1x16xf32>,
        %get3A_456 = vector.shape_cast %get3A_455 : vector<1x16xf32> to vector<16xf32>
        %add3A_457 = arith.addf %add3A_377, %get3A_456 : vector<16xf32>
        %mul3A_458 = arith.constant 16 : i32
        %mul3A_459 = arith.muli %add3A_449, %mul3A_458 : i32
        %eq3A_460 = vector.broadcast %mul3A_459 : i32 to vector<16xi32>
        %eq3A_461 = arith.cmpi eq, %sub3A_138, %eq3A_460 : vector<16xi32>
        %jit3A_462 = arith.constant 0.000000e+00 : f32
        %broadcast_in_dim3A_463 = vector.broadcast %jit3A_462 : f32 to vector<16xf32>
        %select_n3A_464 = arith.select %eq3A_461, %get3A_456, %broadcast_in_dim3A_463 : vector<16xi1>, vector<16xf32>
        %add3A_465 = arith.addf %add3A_425, %select_n3A_464 : vector<16xf32>
        scf.yield %add3A_397, %add3A_417, %add3A_437, %add3A_457, %add3A_445, %add3A_465 : vector<16xf32>, vector<16xf32>, vector<16xf32>, vector<16xf32>, vector<16xf32>, vector<16xf32>
      }
      %scan3A_144 = arith.constant 74 : i32
      %add3A_145 = arith.addf %scan3A_143#0, %scan3A_143#1 : vector<16xf32>
      %add3A_146 = arith.addf %add3A_145, %scan3A_143#2 : vector<16xf32>
      %add3A_147 = arith.addf %add3A_146, %scan3A_143#3 : vector<16xf32>
      %add3A_148 = arith.addf %scan3A_143#4, %scan3A_143#5 : vector<16xf32>
      %ne3A_149 = arith.constant 0 : i32
      %ne3A_150 = vector.broadcast %ne3A_149 : i32 to vector<16xi32>
      %ne3A_151 = arith.cmpi ne, %get3A_134, %ne3A_150 : vector<16xi32>
      %mul3A_152 = arith.constant -3.12519524E-6 : f32
      %mul3A_153 = vector.broadcast %mul3A_152 : f32 to vector<16xf32>
      %mul3A_154 = arith.mulf %mul3A_153, %add3A_147 : vector<16xf32>
      %mul3A_155 = arith.constant -0.899996876 : f32
      %mul3A_156 = vector.broadcast %mul3A_155 : f32 to vector<16xf32>
      %mul3A_157 = arith.mulf %mul3A_156, %add3A_148 : vector<16xf32>
      %add3A_158 = arith.addf %mul3A_154, %mul3A_157 : vector<16xf32>
      %select_n3A_159 = arith.select %ne3A_151, %add3A_158, %broadcast_in_dim3A_5 : vector<16xi1>, vector<16xf32>
      %add3A_160 = arith.addf %add3A_125, %select_n3A_159 : vector<16xf32>
      %mul3A_161 = arith.constant 8 : i32
      %mul3A_162 = arith.muli %scan3A_14, %mul3A_161 : i32
      %add3A_163 = arith.constant 4 : i32
      %add3A_164 = arith.addi %mul3A_162, %add3A_163 : i32
      %mul3A_165 = arith.constant 16 : i32
      %mul3A_166 = arith.muli %add3A_164, %mul3A_165 : i32
      %get3A_167 = arith.index_cast %mul3A_166 : i32 to index
      %get3A_168 = tpu.vector_load %arg5[%get3A_167] {strides = array<i32>} : memref<2048xi32, #tpu.memory_space<vmem>>, vector<16xi32>,
      %get3A_169 = vector.shape_cast %get3A_168 : vector<16xi32> to vector<16xi32>
      %add3A_170 = arith.constant 22528 : i32
      %add3A_171 = vector.broadcast %add3A_170 : i32 to vector<16xi32>
      %add3A_172 = arith.addi %add3A_171, %iota3A : vector<16xi32>
      %sub3A_173 = arith.subi %get3A_169, %add3A_172 : vector<16xi32>
      %scan3A_174 = arith.constant 0 : i32
      %scan3A_175 = arith.constant 74 : i32
      %scan3A_176 = arith.addi %scan3A_174, %scan3A_175 : i32
      %scan3A_177 = arith.constant 1 : i32
      %scan3A_178:6 = scf.for %scan3A_301 = %scan3A_174 to %scan3A_176 step %scan3A_177 iter_args(%scan3A_302 = %broadcast_in_dim3A_5, %scan3A_303 = %broadcast_in_dim3A_5, %scan3A_304 = %broadcast_in_dim3A_5, %scan3A_305 = %broadcast_in_dim3A_5, %scan3A_306 = %broadcast_in_dim3A_5, %scan3A_307 = %broadcast_in_dim3A_5) -> (vector<16xf32>, vector<16xf32>, vector<16xf32>, vector<16xf32>, vector<16xf32>, vector<16xf32>)  : i32 {
        %mul3A_308 = arith.constant 8 : i32
        %mul3A_309 = arith.muli %scan3A_301, %mul3A_308 : i32
        %add3A_310 = arith.constant 0 : i32
        %add3A_311 = arith.addi %mul3A_309, %add3A_310 : i32
        %mul3A_312 = arith.constant 16 : i32
        %mul3A_313 = arith.muli %add3A_311, %mul3A_312 : i32
        %get3A_314 = arith.constant 4 : i32
        %get3A_315 = arith.index_cast %get3A_314 : i32 to index
        %get3A_316 = arith.index_cast %mul3A_313 : i32 to index
        %get3A_317 = tpu.vector_load %arg6[%get3A_315, %get3A_316] {strides = array<i32>} : memref<8x9472xf32, #tpu.memory_space<vmem>>, vector<1x16xf32>,
        %get3A_318 = vector.shape_cast %get3A_317 : vector<1x16xf32> to vector<16xf32>
        %add3A_319 = arith.addf %scan3A_302, %get3A_318 : vector<16xf32>
        %mul3A_320 = arith.constant 16 : i32
        %mul3A_321 = arith.muli %add3A_311, %mul3A_320 : i32
        %eq3A = vector.broadcast %mul3A_321 : i32 to vector<16xi32>
        %eq3A_322 = arith.cmpi eq, %sub3A_173, %eq3A : vector<16xi32>
        %jit3A = arith.constant 0.000000e+00 : f32
        %broadcast_in_dim3A_323 = vector.broadcast %jit3A : f32 to vector<16xf32>
        %select_n3A_324 = arith.select %eq3A_322, %get3A_318, %broadcast_in_dim3A_323 : vector<16xi1>, vector<16xf32>
        %add3A_325 = arith.addf %scan3A_306, %select_n3A_324 : vector<16xf32>
        %mul3A_326 = arith.constant 8 : i32
        %mul3A_327 = arith.muli %scan3A_301, %mul3A_326 : i32
        %add3A_328 = arith.constant 1 : i32
        %add3A_329 = arith.addi %mul3A_327, %add3A_328 : i32
        %mul3A_330 = arith.constant 16 : i32
        %mul3A_331 = arith.muli %add3A_329, %mul3A_330 : i32
        %get3A_332 = arith.constant 4 : i32
        %get3A_333 = arith.index_cast %get3A_332 : i32 to index
        %get3A_334 = arith.index_cast %mul3A_331 : i32 to index
        %get3A_335 = tpu.vector_load %arg6[%get3A_333, %get3A_334] {strides = array<i32>} : memref<8x9472xf32, #tpu.memory_space<vmem>>, vector<1x16xf32>,
        %get3A_336 = vector.shape_cast %get3A_335 : vector<1x16xf32> to vector<16xf32>
        %add3A_337 = arith.addf %scan3A_303, %get3A_336 : vector<16xf32>
        %mul3A_338 = arith.constant 16 : i32
        %mul3A_339 = arith.muli %add3A_329, %mul3A_338 : i32
        %eq3A_340 = vector.broadcast %mul3A_339 : i32 to vector<16xi32>
        %eq3A_341 = arith.cmpi eq, %sub3A_173, %eq3A_340 : vector<16xi32>
        %jit3A_342 = arith.constant 0.000000e+00 : f32
        %broadcast_in_dim3A_343 = vector.broadcast %jit3A_342 : f32 to vector<16xf32>
        %select_n3A_344 = arith.select %eq3A_341, %get3A_336, %broadcast_in_dim3A_343 : vector<16xi1>, vector<16xf32>
        %add3A_345 = arith.addf %scan3A_307, %select_n3A_344 : vector<16xf32>
        %mul3A_346 = arith.constant 8 : i32
        %mul3A_347 = arith.muli %scan3A_301, %mul3A_346 : i32
        %add3A_348 = arith.constant 2 : i32
        %add3A_349 = arith.addi %mul3A_347, %add3A_348 : i32
        %mul3A_350 = arith.constant 16 : i32
        %mul3A_351 = arith.muli %add3A_349, %mul3A_350 : i32
        %get3A_352 = arith.constant 4 : i32
        %get3A_353 = arith.index_cast %get3A_352 : i32 to index
        %get3A_354 = arith.index_cast %mul3A_351 : i32 to index
        %get3A_355 = tpu.vector_load %arg6[%get3A_353, %get3A_354] {strides = array<i32>} : memref<8x9472xf32, #tpu.memory_space<vmem>>, vector<1x16xf32>,
        %get3A_356 = vector.shape_cast %get3A_355 : vector<1x16xf32> to vector<16xf32>
        %add3A_357 = arith.addf %scan3A_304, %get3A_356 : vector<16xf32>
        %mul3A_358 = arith.constant 16 : i32
        %mul3A_359 = arith.muli %add3A_349, %mul3A_358 : i32
        %eq3A_360 = vector.broadcast %mul3A_359 : i32 to vector<16xi32>
        %eq3A_361 = arith.cmpi eq, %sub3A_173, %eq3A_360 : vector<16xi32>
        %jit3A_362 = arith.constant 0.000000e+00 : f32
        %broadcast_in_dim3A_363 = vector.broadcast %jit3A_362 : f32 to vector<16xf32>
        %select_n3A_364 = arith.select %eq3A_361, %get3A_356, %broadcast_in_dim3A_363 : vector<16xi1>, vector<16xf32>
        %add3A_365 = arith.addf %add3A_325, %select_n3A_364 : vector<16xf32>
        %mul3A_366 = arith.constant 8 : i32
        %mul3A_367 = arith.muli %scan3A_301, %mul3A_366 : i32
        %add3A_368 = arith.constant 3 : i32
        %add3A_369 = arith.addi %mul3A_367, %add3A_368 : i32
        %mul3A_370 = arith.constant 16 : i32
        %mul3A_371 = arith.muli %add3A_369, %mul3A_370 : i32
        %get3A_372 = arith.constant 4 : i32
        %get3A_373 = arith.index_cast %get3A_372 : i32 to index
        %get3A_374 = arith.index_cast %mul3A_371 : i32 to index
        %get3A_375 = tpu.vector_load %arg6[%get3A_373, %get3A_374] {strides = array<i32>} : memref<8x9472xf32, #tpu.memory_space<vmem>>, vector<1x16xf32>,
        %get3A_376 = vector.shape_cast %get3A_375 : vector<1x16xf32> to vector<16xf32>
        %add3A_377 = arith.addf %scan3A_305, %get3A_376 : vector<16xf32>
        %mul3A_378 = arith.constant 16 : i32
        %mul3A_379 = arith.muli %add3A_369, %mul3A_378 : i32
        %eq3A_380 = vector.broadcast %mul3A_379 : i32 to vector<16xi32>
        %eq3A_381 = arith.cmpi eq, %sub3A_173, %eq3A_380 : vector<16xi32>
        %jit3A_382 = arith.constant 0.000000e+00 : f32
        %broadcast_in_dim3A_383 = vector.broadcast %jit3A_382 : f32 to vector<16xf32>
        %select_n3A_384 = arith.select %eq3A_381, %get3A_376, %broadcast_in_dim3A_383 : vector<16xi1>, vector<16xf32>
        %add3A_385 = arith.addf %add3A_345, %select_n3A_384 : vector<16xf32>
        %mul3A_386 = arith.constant 8 : i32
        %mul3A_387 = arith.muli %scan3A_301, %mul3A_386 : i32
        %add3A_388 = arith.constant 4 : i32
        %add3A_389 = arith.addi %mul3A_387, %add3A_388 : i32
        %mul3A_390 = arith.constant 16 : i32
        %mul3A_391 = arith.muli %add3A_389, %mul3A_390 : i32
        %get3A_392 = arith.constant 4 : i32
        %get3A_393 = arith.index_cast %get3A_392 : i32 to index
        %get3A_394 = arith.index_cast %mul3A_391 : i32 to index
        %get3A_395 = tpu.vector_load %arg6[%get3A_393, %get3A_394] {strides = array<i32>} : memref<8x9472xf32, #tpu.memory_space<vmem>>, vector<1x16xf32>,
        %get3A_396 = vector.shape_cast %get3A_395 : vector<1x16xf32> to vector<16xf32>
        %add3A_397 = arith.addf %add3A_319, %get3A_396 : vector<16xf32>
        %mul3A_398 = arith.constant 16 : i32
        %mul3A_399 = arith.muli %add3A_389, %mul3A_398 : i32
        %eq3A_400 = vector.broadcast %mul3A_399 : i32 to vector<16xi32>
        %eq3A_401 = arith.cmpi eq, %sub3A_173, %eq3A_400 : vector<16xi32>
        %jit3A_402 = arith.constant 0.000000e+00 : f32
        %broadcast_in_dim3A_403 = vector.broadcast %jit3A_402 : f32 to vector<16xf32>
        %select_n3A_404 = arith.select %eq3A_401, %get3A_396, %broadcast_in_dim3A_403 : vector<16xi1>, vector<16xf32>
        %add3A_405 = arith.addf %add3A_365, %select_n3A_404 : vector<16xf32>
        %mul3A_406 = arith.constant 8 : i32
        %mul3A_407 = arith.muli %scan3A_301, %mul3A_406 : i32
        %add3A_408 = arith.constant 5 : i32
        %add3A_409 = arith.addi %mul3A_407, %add3A_408 : i32
        %mul3A_410 = arith.constant 16 : i32
        %mul3A_411 = arith.muli %add3A_409, %mul3A_410 : i32
        %get3A_412 = arith.constant 4 : i32
        %get3A_413 = arith.index_cast %get3A_412 : i32 to index
        %get3A_414 = arith.index_cast %mul3A_411 : i32 to index
        %get3A_415 = tpu.vector_load %arg6[%get3A_413, %get3A_414] {strides = array<i32>} : memref<8x9472xf32, #tpu.memory_space<vmem>>, vector<1x16xf32>,
        %get3A_416 = vector.shape_cast %get3A_415 : vector<1x16xf32> to vector<16xf32>
        %add3A_417 = arith.addf %add3A_337, %get3A_416 : vector<16xf32>
        %mul3A_418 = arith.constant 16 : i32
        %mul3A_419 = arith.muli %add3A_409, %mul3A_418 : i32
        %eq3A_420 = vector.broadcast %mul3A_419 : i32 to vector<16xi32>
        %eq3A_421 = arith.cmpi eq, %sub3A_173, %eq3A_420 : vector<16xi32>
        %jit3A_422 = arith.constant 0.000000e+00 : f32
        %broadcast_in_dim3A_423 = vector.broadcast %jit3A_422 : f32 to vector<16xf32>
        %select_n3A_424 = arith.select %eq3A_421, %get3A_416, %broadcast_in_dim3A_423 : vector<16xi1>, vector<16xf32>
        %add3A_425 = arith.addf %add3A_385, %select_n3A_424 : vector<16xf32>
        %mul3A_426 = arith.constant 8 : i32
        %mul3A_427 = arith.muli %scan3A_301, %mul3A_426 : i32
        %add3A_428 = arith.constant 6 : i32
        %add3A_429 = arith.addi %mul3A_427, %add3A_428 : i32
        %mul3A_430 = arith.constant 16 : i32
        %mul3A_431 = arith.muli %add3A_429, %mul3A_430 : i32
        %get3A_432 = arith.constant 4 : i32
        %get3A_433 = arith.index_cast %get3A_432 : i32 to index
        %get3A_434 = arith.index_cast %mul3A_431 : i32 to index
        %get3A_435 = tpu.vector_load %arg6[%get3A_433, %get3A_434] {strides = array<i32>} : memref<8x9472xf32, #tpu.memory_space<vmem>>, vector<1x16xf32>,
        %get3A_436 = vector.shape_cast %get3A_435 : vector<1x16xf32> to vector<16xf32>
        %add3A_437 = arith.addf %add3A_357, %get3A_436 : vector<16xf32>
        %mul3A_438 = arith.constant 16 : i32
        %mul3A_439 = arith.muli %add3A_429, %mul3A_438 : i32
        %eq3A_440 = vector.broadcast %mul3A_439 : i32 to vector<16xi32>
        %eq3A_441 = arith.cmpi eq, %sub3A_173, %eq3A_440 : vector<16xi32>
        %jit3A_442 = arith.constant 0.000000e+00 : f32
        %broadcast_in_dim3A_443 = vector.broadcast %jit3A_442 : f32 to vector<16xf32>
        %select_n3A_444 = arith.select %eq3A_441, %get3A_436, %broadcast_in_dim3A_443 : vector<16xi1>, vector<16xf32>
        %add3A_445 = arith.addf %add3A_405, %select_n3A_444 : vector<16xf32>
        %mul3A_446 = arith.constant 8 : i32
        %mul3A_447 = arith.muli %scan3A_301, %mul3A_446 : i32
        %add3A_448 = arith.constant 7 : i32
        %add3A_449 = arith.addi %mul3A_447, %add3A_448 : i32
        %mul3A_450 = arith.constant 16 : i32
        %mul3A_451 = arith.muli %add3A_449, %mul3A_450 : i32
        %get3A_452 = arith.constant 4 : i32
        %get3A_453 = arith.index_cast %get3A_452 : i32 to index
        %get3A_454 = arith.index_cast %mul3A_451 : i32 to index
        %get3A_455 = tpu.vector_load %arg6[%get3A_453, %get3A_454] {strides = array<i32>} : memref<8x9472xf32, #tpu.memory_space<vmem>>, vector<1x16xf32>,
        %get3A_456 = vector.shape_cast %get3A_455 : vector<1x16xf32> to vector<16xf32>
        %add3A_457 = arith.addf %add3A_377, %get3A_456 : vector<16xf32>
        %mul3A_458 = arith.constant 16 : i32
        %mul3A_459 = arith.muli %add3A_449, %mul3A_458 : i32
        %eq3A_460 = vector.broadcast %mul3A_459 : i32 to vector<16xi32>
        %eq3A_461 = arith.cmpi eq, %sub3A_173, %eq3A_460 : vector<16xi32>
        %jit3A_462 = arith.constant 0.000000e+00 : f32
        %broadcast_in_dim3A_463 = vector.broadcast %jit3A_462 : f32 to vector<16xf32>
        %select_n3A_464 = arith.select %eq3A_461, %get3A_456, %broadcast_in_dim3A_463 : vector<16xi1>, vector<16xf32>
        %add3A_465 = arith.addf %add3A_425, %select_n3A_464 : vector<16xf32>
        scf.yield %add3A_397, %add3A_417, %add3A_437, %add3A_457, %add3A_445, %add3A_465 : vector<16xf32>, vector<16xf32>, vector<16xf32>, vector<16xf32>, vector<16xf32>, vector<16xf32>
      }
      %scan3A_179 = arith.constant 74 : i32
      %add3A_180 = arith.addf %scan3A_178#0, %scan3A_178#1 : vector<16xf32>
      %add3A_181 = arith.addf %add3A_180, %scan3A_178#2 : vector<16xf32>
      %add3A_182 = arith.addf %add3A_181, %scan3A_178#3 : vector<16xf32>
      %add3A_183 = arith.addf %scan3A_178#4, %scan3A_178#5 : vector<16xf32>
      %ne3A_184 = arith.constant 0 : i32
      %ne3A_185 = vector.broadcast %ne3A_184 : i32 to vector<16xi32>
      %ne3A_186 = arith.cmpi ne, %get3A_169, %ne3A_185 : vector<16xi32>
      %mul3A_187 = arith.constant -3.12519524E-6 : f32
      %mul3A_188 = vector.broadcast %mul3A_187 : f32 to vector<16xf32>
      %mul3A_189 = arith.mulf %mul3A_188, %add3A_182 : vector<16xf32>
      %mul3A_190 = arith.constant -0.899996876 : f32
      %mul3A_191 = vector.broadcast %mul3A_190 : f32 to vector<16xf32>
      %mul3A_192 = arith.mulf %mul3A_191, %add3A_183 : vector<16xf32>
      %add3A_193 = arith.addf %mul3A_189, %mul3A_192 : vector<16xf32>
      %select_n3A_194 = arith.select %ne3A_186, %add3A_193, %broadcast_in_dim3A_5 : vector<16xi1>, vector<16xf32>
      %add3A_195 = arith.addf %add3A_160, %select_n3A_194 : vector<16xf32>
      %mul3A_196 = arith.constant 8 : i32
      %mul3A_197 = arith.muli %scan3A_14, %mul3A_196 : i32
      %add3A_198 = arith.constant 5 : i32
      %add3A_199 = arith.addi %mul3A_197, %add3A_198 : i32
      %mul3A_200 = arith.constant 16 : i32
      %mul3A_201 = arith.muli %add3A_199, %mul3A_200 : i32
      %get3A_202 = arith.index_cast %mul3A_201 : i32 to index
      %get3A_203 = tpu.vector_load %arg5[%get3A_202] {strides = array<i32>} : memref<2048xi32, #tpu.memory_space<vmem>>, vector<16xi32>,
      %get3A_204 = vector.shape_cast %get3A_203 : vector<16xi32> to vector<16xi32>
      %add3A_205 = arith.constant 22528 : i32
      %add3A_206 = vector.broadcast %add3A_205 : i32 to vector<16xi32>
      %add3A_207 = arith.addi %add3A_206, %iota3A : vector<16xi32>
      %sub3A_208 = arith.subi %get3A_204, %add3A_207 : vector<16xi32>
      %scan3A_209 = arith.constant 0 : i32
      %scan3A_210 = arith.constant 74 : i32
      %scan3A_211 = arith.addi %scan3A_209, %scan3A_210 : i32
      %scan3A_212 = arith.constant 1 : i32
      %scan3A_213:6 = scf.for %scan3A_301 = %scan3A_209 to %scan3A_211 step %scan3A_212 iter_args(%scan3A_302 = %broadcast_in_dim3A_5, %scan3A_303 = %broadcast_in_dim3A_5, %scan3A_304 = %broadcast_in_dim3A_5, %scan3A_305 = %broadcast_in_dim3A_5, %scan3A_306 = %broadcast_in_dim3A_5, %scan3A_307 = %broadcast_in_dim3A_5) -> (vector<16xf32>, vector<16xf32>, vector<16xf32>, vector<16xf32>, vector<16xf32>, vector<16xf32>)  : i32 {
        %mul3A_308 = arith.constant 8 : i32
        %mul3A_309 = arith.muli %scan3A_301, %mul3A_308 : i32
        %add3A_310 = arith.constant 0 : i32
        %add3A_311 = arith.addi %mul3A_309, %add3A_310 : i32
        %mul3A_312 = arith.constant 16 : i32
        %mul3A_313 = arith.muli %add3A_311, %mul3A_312 : i32
        %get3A_314 = arith.constant 5 : i32
        %get3A_315 = arith.index_cast %get3A_314 : i32 to index
        %get3A_316 = arith.index_cast %mul3A_313 : i32 to index
        %get3A_317 = tpu.vector_load %arg6[%get3A_315, %get3A_316] {strides = array<i32>} : memref<8x9472xf32, #tpu.memory_space<vmem>>, vector<1x16xf32>,
        %get3A_318 = vector.shape_cast %get3A_317 : vector<1x16xf32> to vector<16xf32>
        %add3A_319 = arith.addf %scan3A_302, %get3A_318 : vector<16xf32>
        %mul3A_320 = arith.constant 16 : i32
        %mul3A_321 = arith.muli %add3A_311, %mul3A_320 : i32
        %eq3A = vector.broadcast %mul3A_321 : i32 to vector<16xi32>
        %eq3A_322 = arith.cmpi eq, %sub3A_208, %eq3A : vector<16xi32>
        %jit3A = arith.constant 0.000000e+00 : f32
        %broadcast_in_dim3A_323 = vector.broadcast %jit3A : f32 to vector<16xf32>
        %select_n3A_324 = arith.select %eq3A_322, %get3A_318, %broadcast_in_dim3A_323 : vector<16xi1>, vector<16xf32>
        %add3A_325 = arith.addf %scan3A_306, %select_n3A_324 : vector<16xf32>
        %mul3A_326 = arith.constant 8 : i32
        %mul3A_327 = arith.muli %scan3A_301, %mul3A_326 : i32
        %add3A_328 = arith.constant 1 : i32
        %add3A_329 = arith.addi %mul3A_327, %add3A_328 : i32
        %mul3A_330 = arith.constant 16 : i32
        %mul3A_331 = arith.muli %add3A_329, %mul3A_330 : i32
        %get3A_332 = arith.constant 5 : i32
        %get3A_333 = arith.index_cast %get3A_332 : i32 to index
        %get3A_334 = arith.index_cast %mul3A_331 : i32 to index
        %get3A_335 = tpu.vector_load %arg6[%get3A_333, %get3A_334] {strides = array<i32>} : memref<8x9472xf32, #tpu.memory_space<vmem>>, vector<1x16xf32>,
        %get3A_336 = vector.shape_cast %get3A_335 : vector<1x16xf32> to vector<16xf32>
        %add3A_337 = arith.addf %scan3A_303, %get3A_336 : vector<16xf32>
        %mul3A_338 = arith.constant 16 : i32
        %mul3A_339 = arith.muli %add3A_329, %mul3A_338 : i32
        %eq3A_340 = vector.broadcast %mul3A_339 : i32 to vector<16xi32>
        %eq3A_341 = arith.cmpi eq, %sub3A_208, %eq3A_340 : vector<16xi32>
        %jit3A_342 = arith.constant 0.000000e+00 : f32
        %broadcast_in_dim3A_343 = vector.broadcast %jit3A_342 : f32 to vector<16xf32>
        %select_n3A_344 = arith.select %eq3A_341, %get3A_336, %broadcast_in_dim3A_343 : vector<16xi1>, vector<16xf32>
        %add3A_345 = arith.addf %scan3A_307, %select_n3A_344 : vector<16xf32>
        %mul3A_346 = arith.constant 8 : i32
        %mul3A_347 = arith.muli %scan3A_301, %mul3A_346 : i32
        %add3A_348 = arith.constant 2 : i32
        %add3A_349 = arith.addi %mul3A_347, %add3A_348 : i32
        %mul3A_350 = arith.constant 16 : i32
        %mul3A_351 = arith.muli %add3A_349, %mul3A_350 : i32
        %get3A_352 = arith.constant 5 : i32
        %get3A_353 = arith.index_cast %get3A_352 : i32 to index
        %get3A_354 = arith.index_cast %mul3A_351 : i32 to index
        %get3A_355 = tpu.vector_load %arg6[%get3A_353, %get3A_354] {strides = array<i32>} : memref<8x9472xf32, #tpu.memory_space<vmem>>, vector<1x16xf32>,
        %get3A_356 = vector.shape_cast %get3A_355 : vector<1x16xf32> to vector<16xf32>
        %add3A_357 = arith.addf %scan3A_304, %get3A_356 : vector<16xf32>
        %mul3A_358 = arith.constant 16 : i32
        %mul3A_359 = arith.muli %add3A_349, %mul3A_358 : i32
        %eq3A_360 = vector.broadcast %mul3A_359 : i32 to vector<16xi32>
        %eq3A_361 = arith.cmpi eq, %sub3A_208, %eq3A_360 : vector<16xi32>
        %jit3A_362 = arith.constant 0.000000e+00 : f32
        %broadcast_in_dim3A_363 = vector.broadcast %jit3A_362 : f32 to vector<16xf32>
        %select_n3A_364 = arith.select %eq3A_361, %get3A_356, %broadcast_in_dim3A_363 : vector<16xi1>, vector<16xf32>
        %add3A_365 = arith.addf %add3A_325, %select_n3A_364 : vector<16xf32>
        %mul3A_366 = arith.constant 8 : i32
        %mul3A_367 = arith.muli %scan3A_301, %mul3A_366 : i32
        %add3A_368 = arith.constant 3 : i32
        %add3A_369 = arith.addi %mul3A_367, %add3A_368 : i32
        %mul3A_370 = arith.constant 16 : i32
        %mul3A_371 = arith.muli %add3A_369, %mul3A_370 : i32
        %get3A_372 = arith.constant 5 : i32
        %get3A_373 = arith.index_cast %get3A_372 : i32 to index
        %get3A_374 = arith.index_cast %mul3A_371 : i32 to index
        %get3A_375 = tpu.vector_load %arg6[%get3A_373, %get3A_374] {strides = array<i32>} : memref<8x9472xf32, #tpu.memory_space<vmem>>, vector<1x16xf32>,
        %get3A_376 = vector.shape_cast %get3A_375 : vector<1x16xf32> to vector<16xf32>
        %add3A_377 = arith.addf %scan3A_305, %get3A_376 : vector<16xf32>
        %mul3A_378 = arith.constant 16 : i32
        %mul3A_379 = arith.muli %add3A_369, %mul3A_378 : i32
        %eq3A_380 = vector.broadcast %mul3A_379 : i32 to vector<16xi32>
        %eq3A_381 = arith.cmpi eq, %sub3A_208, %eq3A_380 : vector<16xi32>
        %jit3A_382 = arith.constant 0.000000e+00 : f32
        %broadcast_in_dim3A_383 = vector.broadcast %jit3A_382 : f32 to vector<16xf32>
        %select_n3A_384 = arith.select %eq3A_381, %get3A_376, %broadcast_in_dim3A_383 : vector<16xi1>, vector<16xf32>
        %add3A_385 = arith.addf %add3A_345, %select_n3A_384 : vector<16xf32>
        %mul3A_386 = arith.constant 8 : i32
        %mul3A_387 = arith.muli %scan3A_301, %mul3A_386 : i32
        %add3A_388 = arith.constant 4 : i32
        %add3A_389 = arith.addi %mul3A_387, %add3A_388 : i32
        %mul3A_390 = arith.constant 16 : i32
        %mul3A_391 = arith.muli %add3A_389, %mul3A_390 : i32
        %get3A_392 = arith.constant 5 : i32
        %get3A_393 = arith.index_cast %get3A_392 : i32 to index
        %get3A_394 = arith.index_cast %mul3A_391 : i32 to index
        %get3A_395 = tpu.vector_load %arg6[%get3A_393, %get3A_394] {strides = array<i32>} : memref<8x9472xf32, #tpu.memory_space<vmem>>, vector<1x16xf32>,
        %get3A_396 = vector.shape_cast %get3A_395 : vector<1x16xf32> to vector<16xf32>
        %add3A_397 = arith.addf %add3A_319, %get3A_396 : vector<16xf32>
        %mul3A_398 = arith.constant 16 : i32
        %mul3A_399 = arith.muli %add3A_389, %mul3A_398 : i32
        %eq3A_400 = vector.broadcast %mul3A_399 : i32 to vector<16xi32>
        %eq3A_401 = arith.cmpi eq, %sub3A_208, %eq3A_400 : vector<16xi32>
        %jit3A_402 = arith.constant 0.000000e+00 : f32
        %broadcast_in_dim3A_403 = vector.broadcast %jit3A_402 : f32 to vector<16xf32>
        %select_n3A_404 = arith.select %eq3A_401, %get3A_396, %broadcast_in_dim3A_403 : vector<16xi1>, vector<16xf32>
        %add3A_405 = arith.addf %add3A_365, %select_n3A_404 : vector<16xf32>
        %mul3A_406 = arith.constant 8 : i32
        %mul3A_407 = arith.muli %scan3A_301, %mul3A_406 : i32
        %add3A_408 = arith.constant 5 : i32
        %add3A_409 = arith.addi %mul3A_407, %add3A_408 : i32
        %mul3A_410 = arith.constant 16 : i32
        %mul3A_411 = arith.muli %add3A_409, %mul3A_410 : i32
        %get3A_412 = arith.constant 5 : i32
        %get3A_413 = arith.index_cast %get3A_412 : i32 to index
        %get3A_414 = arith.index_cast %mul3A_411 : i32 to index
        %get3A_415 = tpu.vector_load %arg6[%get3A_413, %get3A_414] {strides = array<i32>} : memref<8x9472xf32, #tpu.memory_space<vmem>>, vector<1x16xf32>,
        %get3A_416 = vector.shape_cast %get3A_415 : vector<1x16xf32> to vector<16xf32>
        %add3A_417 = arith.addf %add3A_337, %get3A_416 : vector<16xf32>
        %mul3A_418 = arith.constant 16 : i32
        %mul3A_419 = arith.muli %add3A_409, %mul3A_418 : i32
        %eq3A_420 = vector.broadcast %mul3A_419 : i32 to vector<16xi32>
        %eq3A_421 = arith.cmpi eq, %sub3A_208, %eq3A_420 : vector<16xi32>
        %jit3A_422 = arith.constant 0.000000e+00 : f32
        %broadcast_in_dim3A_423 = vector.broadcast %jit3A_422 : f32 to vector<16xf32>
        %select_n3A_424 = arith.select %eq3A_421, %get3A_416, %broadcast_in_dim3A_423 : vector<16xi1>, vector<16xf32>
        %add3A_425 = arith.addf %add3A_385, %select_n3A_424 : vector<16xf32>
        %mul3A_426 = arith.constant 8 : i32
        %mul3A_427 = arith.muli %scan3A_301, %mul3A_426 : i32
        %add3A_428 = arith.constant 6 : i32
        %add3A_429 = arith.addi %mul3A_427, %add3A_428 : i32
        %mul3A_430 = arith.constant 16 : i32
        %mul3A_431 = arith.muli %add3A_429, %mul3A_430 : i32
        %get3A_432 = arith.constant 5 : i32
        %get3A_433 = arith.index_cast %get3A_432 : i32 to index
        %get3A_434 = arith.index_cast %mul3A_431 : i32 to index
        %get3A_435 = tpu.vector_load %arg6[%get3A_433, %get3A_434] {strides = array<i32>} : memref<8x9472xf32, #tpu.memory_space<vmem>>, vector<1x16xf32>,
        %get3A_436 = vector.shape_cast %get3A_435 : vector<1x16xf32> to vector<16xf32>
        %add3A_437 = arith.addf %add3A_357, %get3A_436 : vector<16xf32>
        %mul3A_438 = arith.constant 16 : i32
        %mul3A_439 = arith.muli %add3A_429, %mul3A_438 : i32
        %eq3A_440 = vector.broadcast %mul3A_439 : i32 to vector<16xi32>
        %eq3A_441 = arith.cmpi eq, %sub3A_208, %eq3A_440 : vector<16xi32>
        %jit3A_442 = arith.constant 0.000000e+00 : f32
        %broadcast_in_dim3A_443 = vector.broadcast %jit3A_442 : f32 to vector<16xf32>
        %select_n3A_444 = arith.select %eq3A_441, %get3A_436, %broadcast_in_dim3A_443 : vector<16xi1>, vector<16xf32>
        %add3A_445 = arith.addf %add3A_405, %select_n3A_444 : vector<16xf32>
        %mul3A_446 = arith.constant 8 : i32
        %mul3A_447 = arith.muli %scan3A_301, %mul3A_446 : i32
        %add3A_448 = arith.constant 7 : i32
        %add3A_449 = arith.addi %mul3A_447, %add3A_448 : i32
        %mul3A_450 = arith.constant 16 : i32
        %mul3A_451 = arith.muli %add3A_449, %mul3A_450 : i32
        %get3A_452 = arith.constant 5 : i32
        %get3A_453 = arith.index_cast %get3A_452 : i32 to index
        %get3A_454 = arith.index_cast %mul3A_451 : i32 to index
        %get3A_455 = tpu.vector_load %arg6[%get3A_453, %get3A_454] {strides = array<i32>} : memref<8x9472xf32, #tpu.memory_space<vmem>>, vector<1x16xf32>,
        %get3A_456 = vector.shape_cast %get3A_455 : vector<1x16xf32> to vector<16xf32>
        %add3A_457 = arith.addf %add3A_377, %get3A_456 : vector<16xf32>
        %mul3A_458 = arith.constant 16 : i32
        %mul3A_459 = arith.muli %add3A_449, %mul3A_458 : i32
        %eq3A_460 = vector.broadcast %mul3A_459 : i32 to vector<16xi32>
        %eq3A_461 = arith.cmpi eq, %sub3A_208, %eq3A_460 : vector<16xi32>
        %jit3A_462 = arith.constant 0.000000e+00 : f32
        %broadcast_in_dim3A_463 = vector.broadcast %jit3A_462 : f32 to vector<16xf32>
        %select_n3A_464 = arith.select %eq3A_461, %get3A_456, %broadcast_in_dim3A_463 : vector<16xi1>, vector<16xf32>
        %add3A_465 = arith.addf %add3A_425, %select_n3A_464 : vector<16xf32>
        scf.yield %add3A_397, %add3A_417, %add3A_437, %add3A_457, %add3A_445, %add3A_465 : vector<16xf32>, vector<16xf32>, vector<16xf32>, vector<16xf32>, vector<16xf32>, vector<16xf32>
      }
      %scan3A_214 = arith.constant 74 : i32
      %add3A_215 = arith.addf %scan3A_213#0, %scan3A_213#1 : vector<16xf32>
      %add3A_216 = arith.addf %add3A_215, %scan3A_213#2 : vector<16xf32>
      %add3A_217 = arith.addf %add3A_216, %scan3A_213#3 : vector<16xf32>
      %add3A_218 = arith.addf %scan3A_213#4, %scan3A_213#5 : vector<16xf32>
      %ne3A_219 = arith.constant 0 : i32
      %ne3A_220 = vector.broadcast %ne3A_219 : i32 to vector<16xi32>
      %ne3A_221 = arith.cmpi ne, %get3A_204, %ne3A_220 : vector<16xi32>
      %mul3A_222 = arith.constant -3.12519524E-6 : f32
      %mul3A_223 = vector.broadcast %mul3A_222 : f32 to vector<16xf32>
      %mul3A_224 = arith.mulf %mul3A_223, %add3A_217 : vector<16xf32>
      %mul3A_225 = arith.constant -0.899996876 : f32
      %mul3A_226 = vector.broadcast %mul3A_225 : f32 to vector<16xf32>
      %mul3A_227 = arith.mulf %mul3A_226, %add3A_218 : vector<16xf32>
      %add3A_228 = arith.addf %mul3A_224, %mul3A_227 : vector<16xf32>
      %select_n3A_229 = arith.select %ne3A_221, %add3A_228, %broadcast_in_dim3A_5 : vector<16xi1>, vector<16xf32>
      %add3A_230 = arith.addf %add3A_195, %select_n3A_229 : vector<16xf32>
      %mul3A_231 = arith.constant 8 : i32
      %mul3A_232 = arith.muli %scan3A_14, %mul3A_231 : i32
      %add3A_233 = arith.constant 6 : i32
      %add3A_234 = arith.addi %mul3A_232, %add3A_233 : i32
      %mul3A_235 = arith.constant 16 : i32
      %mul3A_236 = arith.muli %add3A_234, %mul3A_235 : i32
      %get3A_237 = arith.index_cast %mul3A_236 : i32 to index
      %get3A_238 = tpu.vector_load %arg5[%get3A_237] {strides = array<i32>} : memref<2048xi32, #tpu.memory_space<vmem>>, vector<16xi32>,
      %get3A_239 = vector.shape_cast %get3A_238 : vector<16xi32> to vector<16xi32>
      %add3A_240 = arith.constant 22528 : i32
      %add3A_241 = vector.broadcast %add3A_240 : i32 to vector<16xi32>
      %add3A_242 = arith.addi %add3A_241, %iota3A : vector<16xi32>
      %sub3A_243 = arith.subi %get3A_239, %add3A_242 : vector<16xi32>
      %scan3A_244 = arith.constant 0 : i32
      %scan3A_245 = arith.constant 74 : i32
      %scan3A_246 = arith.addi %scan3A_244, %scan3A_245 : i32
      %scan3A_247 = arith.constant 1 : i32
      %scan3A_248:6 = scf.for %scan3A_301 = %scan3A_244 to %scan3A_246 step %scan3A_247 iter_args(%scan3A_302 = %broadcast_in_dim3A_5, %scan3A_303 = %broadcast_in_dim3A_5, %scan3A_304 = %broadcast_in_dim3A_5, %scan3A_305 = %broadcast_in_dim3A_5, %scan3A_306 = %broadcast_in_dim3A_5, %scan3A_307 = %broadcast_in_dim3A_5) -> (vector<16xf32>, vector<16xf32>, vector<16xf32>, vector<16xf32>, vector<16xf32>, vector<16xf32>)  : i32 {
        %mul3A_308 = arith.constant 8 : i32
        %mul3A_309 = arith.muli %scan3A_301, %mul3A_308 : i32
        %add3A_310 = arith.constant 0 : i32
        %add3A_311 = arith.addi %mul3A_309, %add3A_310 : i32
        %mul3A_312 = arith.constant 16 : i32
        %mul3A_313 = arith.muli %add3A_311, %mul3A_312 : i32
        %get3A_314 = arith.constant 6 : i32
        %get3A_315 = arith.index_cast %get3A_314 : i32 to index
        %get3A_316 = arith.index_cast %mul3A_313 : i32 to index
        %get3A_317 = tpu.vector_load %arg6[%get3A_315, %get3A_316] {strides = array<i32>} : memref<8x9472xf32, #tpu.memory_space<vmem>>, vector<1x16xf32>,
        %get3A_318 = vector.shape_cast %get3A_317 : vector<1x16xf32> to vector<16xf32>
        %add3A_319 = arith.addf %scan3A_302, %get3A_318 : vector<16xf32>
        %mul3A_320 = arith.constant 16 : i32
        %mul3A_321 = arith.muli %add3A_311, %mul3A_320 : i32
        %eq3A = vector.broadcast %mul3A_321 : i32 to vector<16xi32>
        %eq3A_322 = arith.cmpi eq, %sub3A_243, %eq3A : vector<16xi32>
        %jit3A = arith.constant 0.000000e+00 : f32
        %broadcast_in_dim3A_323 = vector.broadcast %jit3A : f32 to vector<16xf32>
        %select_n3A_324 = arith.select %eq3A_322, %get3A_318, %broadcast_in_dim3A_323 : vector<16xi1>, vector<16xf32>
        %add3A_325 = arith.addf %scan3A_306, %select_n3A_324 : vector<16xf32>
        %mul3A_326 = arith.constant 8 : i32
        %mul3A_327 = arith.muli %scan3A_301, %mul3A_326 : i32
        %add3A_328 = arith.constant 1 : i32
        %add3A_329 = arith.addi %mul3A_327, %add3A_328 : i32
        %mul3A_330 = arith.constant 16 : i32
        %mul3A_331 = arith.muli %add3A_329, %mul3A_330 : i32
        %get3A_332 = arith.constant 6 : i32
        %get3A_333 = arith.index_cast %get3A_332 : i32 to index
        %get3A_334 = arith.index_cast %mul3A_331 : i32 to index
        %get3A_335 = tpu.vector_load %arg6[%get3A_333, %get3A_334] {strides = array<i32>} : memref<8x9472xf32, #tpu.memory_space<vmem>>, vector<1x16xf32>,
        %get3A_336 = vector.shape_cast %get3A_335 : vector<1x16xf32> to vector<16xf32>
        %add3A_337 = arith.addf %scan3A_303, %get3A_336 : vector<16xf32>
        %mul3A_338 = arith.constant 16 : i32
        %mul3A_339 = arith.muli %add3A_329, %mul3A_338 : i32
        %eq3A_340 = vector.broadcast %mul3A_339 : i32 to vector<16xi32>
        %eq3A_341 = arith.cmpi eq, %sub3A_243, %eq3A_340 : vector<16xi32>
        %jit3A_342 = arith.constant 0.000000e+00 : f32
        %broadcast_in_dim3A_343 = vector.broadcast %jit3A_342 : f32 to vector<16xf32>
        %select_n3A_344 = arith.select %eq3A_341, %get3A_336, %broadcast_in_dim3A_343 : vector<16xi1>, vector<16xf32>
        %add3A_345 = arith.addf %scan3A_307, %select_n3A_344 : vector<16xf32>
        %mul3A_346 = arith.constant 8 : i32
        %mul3A_347 = arith.muli %scan3A_301, %mul3A_346 : i32
        %add3A_348 = arith.constant 2 : i32
        %add3A_349 = arith.addi %mul3A_347, %add3A_348 : i32
        %mul3A_350 = arith.constant 16 : i32
        %mul3A_351 = arith.muli %add3A_349, %mul3A_350 : i32
        %get3A_352 = arith.constant 6 : i32
        %get3A_353 = arith.index_cast %get3A_352 : i32 to index
        %get3A_354 = arith.index_cast %mul3A_351 : i32 to index
        %get3A_355 = tpu.vector_load %arg6[%get3A_353, %get3A_354] {strides = array<i32>} : memref<8x9472xf32, #tpu.memory_space<vmem>>, vector<1x16xf32>,
        %get3A_356 = vector.shape_cast %get3A_355 : vector<1x16xf32> to vector<16xf32>
        %add3A_357 = arith.addf %scan3A_304, %get3A_356 : vector<16xf32>
        %mul3A_358 = arith.constant 16 : i32
        %mul3A_359 = arith.muli %add3A_349, %mul3A_358 : i32
        %eq3A_360 = vector.broadcast %mul3A_359 : i32 to vector<16xi32>
        %eq3A_361 = arith.cmpi eq, %sub3A_243, %eq3A_360 : vector<16xi32>
        %jit3A_362 = arith.constant 0.000000e+00 : f32
        %broadcast_in_dim3A_363 = vector.broadcast %jit3A_362 : f32 to vector<16xf32>
        %select_n3A_364 = arith.select %eq3A_361, %get3A_356, %broadcast_in_dim3A_363 : vector<16xi1>, vector<16xf32>
        %add3A_365 = arith.addf %add3A_325, %select_n3A_364 : vector<16xf32>
        %mul3A_366 = arith.constant 8 : i32
        %mul3A_367 = arith.muli %scan3A_301, %mul3A_366 : i32
        %add3A_368 = arith.constant 3 : i32
        %add3A_369 = arith.addi %mul3A_367, %add3A_368 : i32
        %mul3A_370 = arith.constant 16 : i32
        %mul3A_371 = arith.muli %add3A_369, %mul3A_370 : i32
        %get3A_372 = arith.constant 6 : i32
        %get3A_373 = arith.index_cast %get3A_372 : i32 to index
        %get3A_374 = arith.index_cast %mul3A_371 : i32 to index
        %get3A_375 = tpu.vector_load %arg6[%get3A_373, %get3A_374] {strides = array<i32>} : memref<8x9472xf32, #tpu.memory_space<vmem>>, vector<1x16xf32>,
        %get3A_376 = vector.shape_cast %get3A_375 : vector<1x16xf32> to vector<16xf32>
        %add3A_377 = arith.addf %scan3A_305, %get3A_376 : vector<16xf32>
        %mul3A_378 = arith.constant 16 : i32
        %mul3A_379 = arith.muli %add3A_369, %mul3A_378 : i32
        %eq3A_380 = vector.broadcast %mul3A_379 : i32 to vector<16xi32>
        %eq3A_381 = arith.cmpi eq, %sub3A_243, %eq3A_380 : vector<16xi32>
        %jit3A_382 = arith.constant 0.000000e+00 : f32
        %broadcast_in_dim3A_383 = vector.broadcast %jit3A_382 : f32 to vector<16xf32>
        %select_n3A_384 = arith.select %eq3A_381, %get3A_376, %broadcast_in_dim3A_383 : vector<16xi1>, vector<16xf32>
        %add3A_385 = arith.addf %add3A_345, %select_n3A_384 : vector<16xf32>
        %mul3A_386 = arith.constant 8 : i32
        %mul3A_387 = arith.muli %scan3A_301, %mul3A_386 : i32
        %add3A_388 = arith.constant 4 : i32
        %add3A_389 = arith.addi %mul3A_387, %add3A_388 : i32
        %mul3A_390 = arith.constant 16 : i32
        %mul3A_391 = arith.muli %add3A_389, %mul3A_390 : i32
        %get3A_392 = arith.constant 6 : i32
        %get3A_393 = arith.index_cast %get3A_392 : i32 to index
        %get3A_394 = arith.index_cast %mul3A_391 : i32 to index
        %get3A_395 = tpu.vector_load %arg6[%get3A_393, %get3A_394] {strides = array<i32>} : memref<8x9472xf32, #tpu.memory_space<vmem>>, vector<1x16xf32>,
        %get3A_396 = vector.shape_cast %get3A_395 : vector<1x16xf32> to vector<16xf32>
        %add3A_397 = arith.addf %add3A_319, %get3A_396 : vector<16xf32>
        %mul3A_398 = arith.constant 16 : i32
        %mul3A_399 = arith.muli %add3A_389, %mul3A_398 : i32
        %eq3A_400 = vector.broadcast %mul3A_399 : i32 to vector<16xi32>
        %eq3A_401 = arith.cmpi eq, %sub3A_243, %eq3A_400 : vector<16xi32>
        %jit3A_402 = arith.constant 0.000000e+00 : f32
        %broadcast_in_dim3A_403 = vector.broadcast %jit3A_402 : f32 to vector<16xf32>
        %select_n3A_404 = arith.select %eq3A_401, %get3A_396, %broadcast_in_dim3A_403 : vector<16xi1>, vector<16xf32>
        %add3A_405 = arith.addf %add3A_365, %select_n3A_404 : vector<16xf32>
        %mul3A_406 = arith.constant 8 : i32
        %mul3A_407 = arith.muli %scan3A_301, %mul3A_406 : i32
        %add3A_408 = arith.constant 5 : i32
        %add3A_409 = arith.addi %mul3A_407, %add3A_408 : i32
        %mul3A_410 = arith.constant 16 : i32
        %mul3A_411 = arith.muli %add3A_409, %mul3A_410 : i32
        %get3A_412 = arith.constant 6 : i32
        %get3A_413 = arith.index_cast %get3A_412 : i32 to index
        %get3A_414 = arith.index_cast %mul3A_411 : i32 to index
        %get3A_415 = tpu.vector_load %arg6[%get3A_413, %get3A_414] {strides = array<i32>} : memref<8x9472xf32, #tpu.memory_space<vmem>>, vector<1x16xf32>,
        %get3A_416 = vector.shape_cast %get3A_415 : vector<1x16xf32> to vector<16xf32>
        %add3A_417 = arith.addf %add3A_337, %get3A_416 : vector<16xf32>
        %mul3A_418 = arith.constant 16 : i32
        %mul3A_419 = arith.muli %add3A_409, %mul3A_418 : i32
        %eq3A_420 = vector.broadcast %mul3A_419 : i32 to vector<16xi32>
        %eq3A_421 = arith.cmpi eq, %sub3A_243, %eq3A_420 : vector<16xi32>
        %jit3A_422 = arith.constant 0.000000e+00 : f32
        %broadcast_in_dim3A_423 = vector.broadcast %jit3A_422 : f32 to vector<16xf32>
        %select_n3A_424 = arith.select %eq3A_421, %get3A_416, %broadcast_in_dim3A_423 : vector<16xi1>, vector<16xf32>
        %add3A_425 = arith.addf %add3A_385, %select_n3A_424 : vector<16xf32>
        %mul3A_426 = arith.constant 8 : i32
        %mul3A_427 = arith.muli %scan3A_301, %mul3A_426 : i32
        %add3A_428 = arith.constant 6 : i32
        %add3A_429 = arith.addi %mul3A_427, %add3A_428 : i32
        %mul3A_430 = arith.constant 16 : i32
        %mul3A_431 = arith.muli %add3A_429, %mul3A_430 : i32
        %get3A_432 = arith.constant 6 : i32
        %get3A_433 = arith.index_cast %get3A_432 : i32 to index
        %get3A_434 = arith.index_cast %mul3A_431 : i32 to index
        %get3A_435 = tpu.vector_load %arg6[%get3A_433, %get3A_434] {strides = array<i32>} : memref<8x9472xf32, #tpu.memory_space<vmem>>, vector<1x16xf32>,
        %get3A_436 = vector.shape_cast %get3A_435 : vector<1x16xf32> to vector<16xf32>
        %add3A_437 = arith.addf %add3A_357, %get3A_436 : vector<16xf32>
        %mul3A_438 = arith.constant 16 : i32
        %mul3A_439 = arith.muli %add3A_429, %mul3A_438 : i32
        %eq3A_440 = vector.broadcast %mul3A_439 : i32 to vector<16xi32>
        %eq3A_441 = arith.cmpi eq, %sub3A_243, %eq3A_440 : vector<16xi32>
        %jit3A_442 = arith.constant 0.000000e+00 : f32
        %broadcast_in_dim3A_443 = vector.broadcast %jit3A_442 : f32 to vector<16xf32>
        %select_n3A_444 = arith.select %eq3A_441, %get3A_436, %broadcast_in_dim3A_443 : vector<16xi1>, vector<16xf32>
        %add3A_445 = arith.addf %add3A_405, %select_n3A_444 : vector<16xf32>
        %mul3A_446 = arith.constant 8 : i32
        %mul3A_447 = arith.muli %scan3A_301, %mul3A_446 : i32
        %add3A_448 = arith.constant 7 : i32
        %add3A_449 = arith.addi %mul3A_447, %add3A_448 : i32
        %mul3A_450 = arith.constant 16 : i32
        %mul3A_451 = arith.muli %add3A_449, %mul3A_450 : i32
        %get3A_452 = arith.constant 6 : i32
        %get3A_453 = arith.index_cast %get3A_452 : i32 to index
        %get3A_454 = arith.index_cast %mul3A_451 : i32 to index
        %get3A_455 = tpu.vector_load %arg6[%get3A_453, %get3A_454] {strides = array<i32>} : memref<8x9472xf32, #tpu.memory_space<vmem>>, vector<1x16xf32>,
        %get3A_456 = vector.shape_cast %get3A_455 : vector<1x16xf32> to vector<16xf32>
        %add3A_457 = arith.addf %add3A_377, %get3A_456 : vector<16xf32>
        %mul3A_458 = arith.constant 16 : i32
        %mul3A_459 = arith.muli %add3A_449, %mul3A_458 : i32
        %eq3A_460 = vector.broadcast %mul3A_459 : i32 to vector<16xi32>
        %eq3A_461 = arith.cmpi eq, %sub3A_243, %eq3A_460 : vector<16xi32>
        %jit3A_462 = arith.constant 0.000000e+00 : f32
        %broadcast_in_dim3A_463 = vector.broadcast %jit3A_462 : f32 to vector<16xf32>
        %select_n3A_464 = arith.select %eq3A_461, %get3A_456, %broadcast_in_dim3A_463 : vector<16xi1>, vector<16xf32>
        %add3A_465 = arith.addf %add3A_425, %select_n3A_464 : vector<16xf32>
        scf.yield %add3A_397, %add3A_417, %add3A_437, %add3A_457, %add3A_445, %add3A_465 : vector<16xf32>, vector<16xf32>, vector<16xf32>, vector<16xf32>, vector<16xf32>, vector<16xf32>
      }
      %scan3A_249 = arith.constant 74 : i32
      %add3A_250 = arith.addf %scan3A_248#0, %scan3A_248#1 : vector<16xf32>
      %add3A_251 = arith.addf %add3A_250, %scan3A_248#2 : vector<16xf32>
      %add3A_252 = arith.addf %add3A_251, %scan3A_248#3 : vector<16xf32>
      %add3A_253 = arith.addf %scan3A_248#4, %scan3A_248#5 : vector<16xf32>
      %ne3A_254 = arith.constant 0 : i32
      %ne3A_255 = vector.broadcast %ne3A_254 : i32 to vector<16xi32>
      %ne3A_256 = arith.cmpi ne, %get3A_239, %ne3A_255 : vector<16xi32>
      %mul3A_257 = arith.constant -3.12519524E-6 : f32
      %mul3A_258 = vector.broadcast %mul3A_257 : f32 to vector<16xf32>
      %mul3A_259 = arith.mulf %mul3A_258, %add3A_252 : vector<16xf32>
      %mul3A_260 = arith.constant -0.899996876 : f32
      %mul3A_261 = vector.broadcast %mul3A_260 : f32 to vector<16xf32>
      %mul3A_262 = arith.mulf %mul3A_261, %add3A_253 : vector<16xf32>
      %add3A_263 = arith.addf %mul3A_259, %mul3A_262 : vector<16xf32>
      %select_n3A_264 = arith.select %ne3A_256, %add3A_263, %broadcast_in_dim3A_5 : vector<16xi1>, vector<16xf32>
      %add3A_265 = arith.addf %add3A_230, %select_n3A_264 : vector<16xf32>
      %mul3A_266 = arith.constant 8 : i32
      %mul3A_267 = arith.muli %scan3A_14, %mul3A_266 : i32
      %add3A_268 = arith.constant 7 : i32
      %add3A_269 = arith.addi %mul3A_267, %add3A_268 : i32
      %mul3A_270 = arith.constant 16 : i32
      %mul3A_271 = arith.muli %add3A_269, %mul3A_270 : i32
      %get3A_272 = arith.index_cast %mul3A_271 : i32 to index
      %get3A_273 = tpu.vector_load %arg5[%get3A_272] {strides = array<i32>} : memref<2048xi32, #tpu.memory_space<vmem>>, vector<16xi32>,
      %get3A_274 = vector.shape_cast %get3A_273 : vector<16xi32> to vector<16xi32>
      %add3A_275 = arith.constant 22528 : i32
      %add3A_276 = vector.broadcast %add3A_275 : i32 to vector<16xi32>
      %add3A_277 = arith.addi %add3A_276, %iota3A : vector<16xi32>
      %sub3A_278 = arith.subi %get3A_274, %add3A_277 : vector<16xi32>
      %scan3A_279 = arith.constant 0 : i32
      %scan3A_280 = arith.constant 74 : i32
      %scan3A_281 = arith.addi %scan3A_279, %scan3A_280 : i32
      %scan3A_282 = arith.constant 1 : i32
      %scan3A_283:6 = scf.for %scan3A_301 = %scan3A_279 to %scan3A_281 step %scan3A_282 iter_args(%scan3A_302 = %broadcast_in_dim3A_5, %scan3A_303 = %broadcast_in_dim3A_5, %scan3A_304 = %broadcast_in_dim3A_5, %scan3A_305 = %broadcast_in_dim3A_5, %scan3A_306 = %broadcast_in_dim3A_5, %scan3A_307 = %broadcast_in_dim3A_5) -> (vector<16xf32>, vector<16xf32>, vector<16xf32>, vector<16xf32>, vector<16xf32>, vector<16xf32>)  : i32 {
        %mul3A_308 = arith.constant 8 : i32
        %mul3A_309 = arith.muli %scan3A_301, %mul3A_308 : i32
        %add3A_310 = arith.constant 0 : i32
        %add3A_311 = arith.addi %mul3A_309, %add3A_310 : i32
        %mul3A_312 = arith.constant 16 : i32
        %mul3A_313 = arith.muli %add3A_311, %mul3A_312 : i32
        %get3A_314 = arith.constant 7 : i32
        %get3A_315 = arith.index_cast %get3A_314 : i32 to index
        %get3A_316 = arith.index_cast %mul3A_313 : i32 to index
        %get3A_317 = tpu.vector_load %arg6[%get3A_315, %get3A_316] {strides = array<i32>} : memref<8x9472xf32, #tpu.memory_space<vmem>>, vector<1x16xf32>,
        %get3A_318 = vector.shape_cast %get3A_317 : vector<1x16xf32> to vector<16xf32>
        %add3A_319 = arith.addf %scan3A_302, %get3A_318 : vector<16xf32>
        %mul3A_320 = arith.constant 16 : i32
        %mul3A_321 = arith.muli %add3A_311, %mul3A_320 : i32
        %eq3A = vector.broadcast %mul3A_321 : i32 to vector<16xi32>
        %eq3A_322 = arith.cmpi eq, %sub3A_278, %eq3A : vector<16xi32>
        %jit3A = arith.constant 0.000000e+00 : f32
        %broadcast_in_dim3A_323 = vector.broadcast %jit3A : f32 to vector<16xf32>
        %select_n3A_324 = arith.select %eq3A_322, %get3A_318, %broadcast_in_dim3A_323 : vector<16xi1>, vector<16xf32>
        %add3A_325 = arith.addf %scan3A_306, %select_n3A_324 : vector<16xf32>
        %mul3A_326 = arith.constant 8 : i32
        %mul3A_327 = arith.muli %scan3A_301, %mul3A_326 : i32
        %add3A_328 = arith.constant 1 : i32
        %add3A_329 = arith.addi %mul3A_327, %add3A_328 : i32
        %mul3A_330 = arith.constant 16 : i32
        %mul3A_331 = arith.muli %add3A_329, %mul3A_330 : i32
        %get3A_332 = arith.constant 7 : i32
        %get3A_333 = arith.index_cast %get3A_332 : i32 to index
        %get3A_334 = arith.index_cast %mul3A_331 : i32 to index
        %get3A_335 = tpu.vector_load %arg6[%get3A_333, %get3A_334] {strides = array<i32>} : memref<8x9472xf32, #tpu.memory_space<vmem>>, vector<1x16xf32>,
        %get3A_336 = vector.shape_cast %get3A_335 : vector<1x16xf32> to vector<16xf32>
        %add3A_337 = arith.addf %scan3A_303, %get3A_336 : vector<16xf32>
        %mul3A_338 = arith.constant 16 : i32
        %mul3A_339 = arith.muli %add3A_329, %mul3A_338 : i32
        %eq3A_340 = vector.broadcast %mul3A_339 : i32 to vector<16xi32>
        %eq3A_341 = arith.cmpi eq, %sub3A_278, %eq3A_340 : vector<16xi32>
        %jit3A_342 = arith.constant 0.000000e+00 : f32
        %broadcast_in_dim3A_343 = vector.broadcast %jit3A_342 : f32 to vector<16xf32>
        %select_n3A_344 = arith.select %eq3A_341, %get3A_336, %broadcast_in_dim3A_343 : vector<16xi1>, vector<16xf32>
        %add3A_345 = arith.addf %scan3A_307, %select_n3A_344 : vector<16xf32>
        %mul3A_346 = arith.constant 8 : i32
        %mul3A_347 = arith.muli %scan3A_301, %mul3A_346 : i32
        %add3A_348 = arith.constant 2 : i32
        %add3A_349 = arith.addi %mul3A_347, %add3A_348 : i32
        %mul3A_350 = arith.constant 16 : i32
        %mul3A_351 = arith.muli %add3A_349, %mul3A_350 : i32
        %get3A_352 = arith.constant 7 : i32
        %get3A_353 = arith.index_cast %get3A_352 : i32 to index
        %get3A_354 = arith.index_cast %mul3A_351 : i32 to index
        %get3A_355 = tpu.vector_load %arg6[%get3A_353, %get3A_354] {strides = array<i32>} : memref<8x9472xf32, #tpu.memory_space<vmem>>, vector<1x16xf32>,
        %get3A_356 = vector.shape_cast %get3A_355 : vector<1x16xf32> to vector<16xf32>
        %add3A_357 = arith.addf %scan3A_304, %get3A_356 : vector<16xf32>
        %mul3A_358 = arith.constant 16 : i32
        %mul3A_359 = arith.muli %add3A_349, %mul3A_358 : i32
        %eq3A_360 = vector.broadcast %mul3A_359 : i32 to vector<16xi32>
        %eq3A_361 = arith.cmpi eq, %sub3A_278, %eq3A_360 : vector<16xi32>
        %jit3A_362 = arith.constant 0.000000e+00 : f32
        %broadcast_in_dim3A_363 = vector.broadcast %jit3A_362 : f32 to vector<16xf32>
        %select_n3A_364 = arith.select %eq3A_361, %get3A_356, %broadcast_in_dim3A_363 : vector<16xi1>, vector<16xf32>
        %add3A_365 = arith.addf %add3A_325, %select_n3A_364 : vector<16xf32>
        %mul3A_366 = arith.constant 8 : i32
        %mul3A_367 = arith.muli %scan3A_301, %mul3A_366 : i32
        %add3A_368 = arith.constant 3 : i32
        %add3A_369 = arith.addi %mul3A_367, %add3A_368 : i32
        %mul3A_370 = arith.constant 16 : i32
        %mul3A_371 = arith.muli %add3A_369, %mul3A_370 : i32
        %get3A_372 = arith.constant 7 : i32
        %get3A_373 = arith.index_cast %get3A_372 : i32 to index
        %get3A_374 = arith.index_cast %mul3A_371 : i32 to index
        %get3A_375 = tpu.vector_load %arg6[%get3A_373, %get3A_374] {strides = array<i32>} : memref<8x9472xf32, #tpu.memory_space<vmem>>, vector<1x16xf32>,
        %get3A_376 = vector.shape_cast %get3A_375 : vector<1x16xf32> to vector<16xf32>
        %add3A_377 = arith.addf %scan3A_305, %get3A_376 : vector<16xf32>
        %mul3A_378 = arith.constant 16 : i32
        %mul3A_379 = arith.muli %add3A_369, %mul3A_378 : i32
        %eq3A_380 = vector.broadcast %mul3A_379 : i32 to vector<16xi32>
        %eq3A_381 = arith.cmpi eq, %sub3A_278, %eq3A_380 : vector<16xi32>
        %jit3A_382 = arith.constant 0.000000e+00 : f32
        %broadcast_in_dim3A_383 = vector.broadcast %jit3A_382 : f32 to vector<16xf32>
        %select_n3A_384 = arith.select %eq3A_381, %get3A_376, %broadcast_in_dim3A_383 : vector<16xi1>, vector<16xf32>
        %add3A_385 = arith.addf %add3A_345, %select_n3A_384 : vector<16xf32>
        %mul3A_386 = arith.constant 8 : i32
        %mul3A_387 = arith.muli %scan3A_301, %mul3A_386 : i32
        %add3A_388 = arith.constant 4 : i32
        %add3A_389 = arith.addi %mul3A_387, %add3A_388 : i32
        %mul3A_390 = arith.constant 16 : i32
        %mul3A_391 = arith.muli %add3A_389, %mul3A_390 : i32
        %get3A_392 = arith.constant 7 : i32
        %get3A_393 = arith.index_cast %get3A_392 : i32 to index
        %get3A_394 = arith.index_cast %mul3A_391 : i32 to index
        %get3A_395 = tpu.vector_load %arg6[%get3A_393, %get3A_394] {strides = array<i32>} : memref<8x9472xf32, #tpu.memory_space<vmem>>, vector<1x16xf32>,
        %get3A_396 = vector.shape_cast %get3A_395 : vector<1x16xf32> to vector<16xf32>
        %add3A_397 = arith.addf %add3A_319, %get3A_396 : vector<16xf32>
        %mul3A_398 = arith.constant 16 : i32
        %mul3A_399 = arith.muli %add3A_389, %mul3A_398 : i32
        %eq3A_400 = vector.broadcast %mul3A_399 : i32 to vector<16xi32>
        %eq3A_401 = arith.cmpi eq, %sub3A_278, %eq3A_400 : vector<16xi32>
        %jit3A_402 = arith.constant 0.000000e+00 : f32
        %broadcast_in_dim3A_403 = vector.broadcast %jit3A_402 : f32 to vector<16xf32>
        %select_n3A_404 = arith.select %eq3A_401, %get3A_396, %broadcast_in_dim3A_403 : vector<16xi1>, vector<16xf32>
        %add3A_405 = arith.addf %add3A_365, %select_n3A_404 : vector<16xf32>
        %mul3A_406 = arith.constant 8 : i32
        %mul3A_407 = arith.muli %scan3A_301, %mul3A_406 : i32
        %add3A_408 = arith.constant 5 : i32
        %add3A_409 = arith.addi %mul3A_407, %add3A_408 : i32
        %mul3A_410 = arith.constant 16 : i32
        %mul3A_411 = arith.muli %add3A_409, %mul3A_410 : i32
        %get3A_412 = arith.constant 7 : i32
        %get3A_413 = arith.index_cast %get3A_412 : i32 to index
        %get3A_414 = arith.index_cast %mul3A_411 : i32 to index
        %get3A_415 = tpu.vector_load %arg6[%get3A_413, %get3A_414] {strides = array<i32>} : memref<8x9472xf32, #tpu.memory_space<vmem>>, vector<1x16xf32>,
        %get3A_416 = vector.shape_cast %get3A_415 : vector<1x16xf32> to vector<16xf32>
        %add3A_417 = arith.addf %add3A_337, %get3A_416 : vector<16xf32>
        %mul3A_418 = arith.constant 16 : i32
        %mul3A_419 = arith.muli %add3A_409, %mul3A_418 : i32
        %eq3A_420 = vector.broadcast %mul3A_419 : i32 to vector<16xi32>
        %eq3A_421 = arith.cmpi eq, %sub3A_278, %eq3A_420 : vector<16xi32>
        %jit3A_422 = arith.constant 0.000000e+00 : f32
        %broadcast_in_dim3A_423 = vector.broadcast %jit3A_422 : f32 to vector<16xf32>
        %select_n3A_424 = arith.select %eq3A_421, %get3A_416, %broadcast_in_dim3A_423 : vector<16xi1>, vector<16xf32>
        %add3A_425 = arith.addf %add3A_385, %select_n3A_424 : vector<16xf32>
        %mul3A_426 = arith.constant 8 : i32
        %mul3A_427 = arith.muli %scan3A_301, %mul3A_426 : i32
        %add3A_428 = arith.constant 6 : i32
        %add3A_429 = arith.addi %mul3A_427, %add3A_428 : i32
        %mul3A_430 = arith.constant 16 : i32
        %mul3A_431 = arith.muli %add3A_429, %mul3A_430 : i32
        %get3A_432 = arith.constant 7 : i32
        %get3A_433 = arith.index_cast %get3A_432 : i32 to index
        %get3A_434 = arith.index_cast %mul3A_431 : i32 to index
        %get3A_435 = tpu.vector_load %arg6[%get3A_433, %get3A_434] {strides = array<i32>} : memref<8x9472xf32, #tpu.memory_space<vmem>>, vector<1x16xf32>,
        %get3A_436 = vector.shape_cast %get3A_435 : vector<1x16xf32> to vector<16xf32>
        %add3A_437 = arith.addf %add3A_357, %get3A_436 : vector<16xf32>
        %mul3A_438 = arith.constant 16 : i32
        %mul3A_439 = arith.muli %add3A_429, %mul3A_438 : i32
        %eq3A_440 = vector.broadcast %mul3A_439 : i32 to vector<16xi32>
        %eq3A_441 = arith.cmpi eq, %sub3A_278, %eq3A_440 : vector<16xi32>
        %jit3A_442 = arith.constant 0.000000e+00 : f32
        %broadcast_in_dim3A_443 = vector.broadcast %jit3A_442 : f32 to vector<16xf32>
        %select_n3A_444 = arith.select %eq3A_441, %get3A_436, %broadcast_in_dim3A_443 : vector<16xi1>, vector<16xf32>
        %add3A_445 = arith.addf %add3A_405, %select_n3A_444 : vector<16xf32>
        %mul3A_446 = arith.constant 8 : i32
        %mul3A_447 = arith.muli %scan3A_301, %mul3A_446 : i32
        %add3A_448 = arith.constant 7 : i32
        %add3A_449 = arith.addi %mul3A_447, %add3A_448 : i32
        %mul3A_450 = arith.constant 16 : i32
        %mul3A_451 = arith.muli %add3A_449, %mul3A_450 : i32
        %get3A_452 = arith.constant 7 : i32
        %get3A_453 = arith.index_cast %get3A_452 : i32 to index
        %get3A_454 = arith.index_cast %mul3A_451 : i32 to index
        %get3A_455 = tpu.vector_load %arg6[%get3A_453, %get3A_454] {strides = array<i32>} : memref<8x9472xf32, #tpu.memory_space<vmem>>, vector<1x16xf32>,
        %get3A_456 = vector.shape_cast %get3A_455 : vector<1x16xf32> to vector<16xf32>
        %add3A_457 = arith.addf %add3A_377, %get3A_456 : vector<16xf32>
        %mul3A_458 = arith.constant 16 : i32
        %mul3A_459 = arith.muli %add3A_449, %mul3A_458 : i32
        %eq3A_460 = vector.broadcast %mul3A_459 : i32 to vector<16xi32>
        %eq3A_461 = arith.cmpi eq, %sub3A_278, %eq3A_460 : vector<16xi32>
        %jit3A_462 = arith.constant 0.000000e+00 : f32
        %broadcast_in_dim3A_463 = vector.broadcast %jit3A_462 : f32 to vector<16xf32>
        %select_n3A_464 = arith.select %eq3A_461, %get3A_456, %broadcast_in_dim3A_463 : vector<16xi1>, vector<16xf32>
        %add3A_465 = arith.addf %add3A_425, %select_n3A_464 : vector<16xf32>
        scf.yield %add3A_397, %add3A_417, %add3A_437, %add3A_457, %add3A_445, %add3A_465 : vector<16xf32>, vector<16xf32>, vector<16xf32>, vector<16xf32>, vector<16xf32>, vector<16xf32>
      }
      %scan3A_284 = arith.constant 74 : i32
      %add3A_285 = arith.addf %scan3A_283#0, %scan3A_283#1 : vector<16xf32>
      %add3A_286 = arith.addf %add3A_285, %scan3A_283#2 : vector<16xf32>
      %add3A_287 = arith.addf %add3A_286, %scan3A_283#3 : vector<16xf32>
      %add3A_288 = arith.addf %scan3A_283#4, %scan3A_283#5 : vector<16xf32>
      %ne3A_289 = arith.constant 0 : i32
      %ne3A_290 = vector.broadcast %ne3A_289 : i32 to vector<16xi32>
      %ne3A_291 = arith.cmpi ne, %get3A_274, %ne3A_290 : vector<16xi32>
      %mul3A_292 = arith.constant -3.12519524E-6 : f32
      %mul3A_293 = vector.broadcast %mul3A_292 : f32 to vector<16xf32>
      %mul3A_294 = arith.mulf %mul3A_293, %add3A_287 : vector<16xf32>
      %mul3A_295 = arith.constant -0.899996876 : f32
      %mul3A_296 = vector.broadcast %mul3A_295 : f32 to vector<16xf32>
      %mul3A_297 = arith.mulf %mul3A_296, %add3A_288 : vector<16xf32>
      %add3A_298 = arith.addf %mul3A_294, %mul3A_297 : vector<16xf32>
      %select_n3A_299 = arith.select %ne3A_291, %add3A_298, %broadcast_in_dim3A_5 : vector<16xi1>, vector<16xf32>
      %add3A_300 = arith.addf %add3A_265, %select_n3A_299 : vector<16xf32>
      scf.yield %add3A_300 : vector<16xf32>
    }
    %scan3A_10 = arith.constant 16 : i32
    %swap3A = arith.constant 0 : index
    %swap3A_11 = tpu.vector_load %arg7[%swap3A] {strides = array<i32>} : memref<16xf32, #tpu.memory_space<vmem>>, vector<16xf32>,
    %swap3A_12 = vector.shape_cast %swap3A_11 : vector<16xf32> to vector<16xf32>
    %swap3A_13 = vector.shape_cast %scan3A_9 : vector<16xf32> to vector<16xf32>
    tpu.vector_store %arg7[%swap3A], %swap3A_13 {strides = array<i32>} : memref<16xf32, #tpu.memory_space<vmem>>, vector<16xf32>,
    "tpu.region"() ({
      %run_scoped3A = tpu.sem_alloc : memref<!tpu.dma_semaphore, #tpu.memory_space<semaphore_mem>>
      %dma_start3A = arith.constant 0 : i32
      %dma_start3A_14 = tpu.memref_slice %arg4[%add3A, %dma_start3A] : memref<32x16xf32, #tpu.memory_space<hbm>> -> memref<1x16xf32, #tpu.memory_space<hbm>>
      %dma_start3A_15 = tpu.memref_squeeze %dma_start3A_14 : memref<1x16xf32, #tpu.memory_space<hbm>> -> memref<16xf32, #tpu.memory_space<hbm>>
      %dma_start3A_16 = arith.constant 0 : i32
      %dma_start3A_17 = tpu.memref_slice %arg4[%add3A, %dma_start3A_16] : memref<32x16xf32, #tpu.memory_space<hbm>> -> memref<1x16xf32, #tpu.memory_space<hbm>>
      %dma_start3A_18 = tpu.memref_squeeze %dma_start3A_17 : memref<1x16xf32, #tpu.memory_space<hbm>> -> memref<16xf32, #tpu.memory_space<hbm>>
      tpu.enqueue_dma source(%arg7 : memref<16xf32, #tpu.memory_space<vmem>>) target(%dma_start3A_18 : memref<16xf32, #tpu.memory_space<hbm>>) target_semaphore(%run_scoped3A : memref<!tpu.dma_semaphore, #tpu.memory_space<semaphore_mem>>)
      %dma_wait3A = arith.constant 0 : i32
      %dma_wait3A_19 = tpu.memref_slice %arg4[%add3A, %dma_wait3A] : memref<32x16xf32, #tpu.memory_space<hbm>> -> memref<1x16xf32, #tpu.memory_space<hbm>>
      %dma_wait3A_20 = tpu.memref_squeeze %dma_wait3A_19 : memref<1x16xf32, #tpu.memory_space<hbm>> -> memref<16xf32, #tpu.memory_space<hbm>>
      %dma_wait3A_21 = arith.constant 0 : i32
      %dma_wait3A_22 = tpu.memref_slice %arg4[%add3A, %dma_wait3A_21] : memref<32x16xf32, #tpu.memory_space<hbm>> -> memref<1x16xf32, #tpu.memory_space<hbm>>
      %dma_wait3A_23 = tpu.memref_squeeze %dma_wait3A_22 : memref<1x16xf32, #tpu.memory_space<hbm>> -> memref<16xf32, #tpu.memory_space<hbm>>
      tpu.wait_dma2 semaphore(%run_scoped3A : memref<!tpu.dma_semaphore, #tpu.memory_space<semaphore_mem>>) src(%arg7 : memref<16xf32, #tpu.memory_space<vmem>>) dst(%dma_wait3A_23 : memref<16xf32, #tpu.memory_space<hbm>>)
      tpu.yield
    }) : () -> ()
    return
  }
}

module attributes {stable_mosaic.version = 14 : i64} {
  func.func @_reduce_body(%arg0: i32, %arg1: i32, %arg2: memref<512x1xi32, #tpu.memory_space<vmem>>, %arg3: memref<512x5632xf32, #tpu.memory_space<vmem>>, %arg4: memref<1x1xf32, #tpu.memory_space<vmem>>) attributes {dimension_semantics = [#tpu.dimension_semantics<arbitrary>, #tpu.dimension_semantics<arbitrary>], iteration_bounds = array<i64: 8, 4>, scalar_prefetch = 0 : i64, scratch_operands = 0 : i64, tpu.core_type = #tpu.core_type<tc>, window_params = [{transform_indices = @transform_0, window_bounds = array<i64: 512, 1>}, {transform_indices = @transform_1, window_bounds = array<i64: 512, 5632>}, {pipeline_mode = #tpu.pipeline_mode<synchronous>, transform_indices = @transform_2, window_bounds = array<i64: 1, 1>}]} {
    %eq3A = arith.constant 0 : i32
    %eq3A_0 = arith.cmpi eq, %arg0, %eq3A : i32
    %eq3A_1 = arith.constant 0 : i32
    %eq3A_2 = arith.cmpi eq, %arg1, %eq3A_1 : i32
    %and3A = arith.andi %eq3A_0, %eq3A_2 : i1
    %convert_element_type3A = arith.extui %and3A : i1 to i32
    %cond3A = arith.constant 0 : i32
    %cond3A_3 = arith.cmpi ne, %convert_element_type3A, %cond3A : i32
    scf.if %cond3A_3 {
      %broadcast_in_dim3A_57 = arith.constant 0.000000e+00 : f32
      %broadcast_in_dim3A_58 = vector.broadcast %broadcast_in_dim3A_57 : f32 to vector<1x1xf32>
      %swap3A_59 = arith.constant 0 : index
      %swap3A_60 = arith.constant 0 : index
      %swap3A_61 = vector.load %arg4[%swap3A_59, %swap3A_60] : memref<1x1xf32, #tpu.memory_space<vmem>>, vector<1x1xf32>
      tpu.vector_store %arg4[%swap3A_59, %swap3A_60], %broadcast_in_dim3A_58 {strides = array<i32>} : memref<1x1xf32, #tpu.memory_space<vmem>>, vector<1x1xf32>,
    } else {
    }
    %get3A = arith.constant 0 : index
    %get3A_4 = arith.constant 0 : index
    %get3A_5 = vector.load %arg2[%get3A, %get3A_4] : memref<512x1xi32, #tpu.memory_space<vmem>>, vector<512x1xi32>
    %ne3A = arith.constant 0 : i32
    %ne3A_6 = vector.broadcast %ne3A : i32 to vector<512x1xi32>
    %ne3A_7 = arith.cmpi ne, %get3A_5, %ne3A_6 : vector<512x1xi32>
    %convert_element_type3A_8 = arith.extui %ne3A_7 : vector<512x1xi1> to vector<512x1xi32>
    %convert_element_type3A_9 = arith.sitofp %convert_element_type3A_8 : vector<512x1xi32> to vector<512x1xf32>
    %get3A_10 = arith.constant 0 : index
    %get3A_11 = arith.constant 0 : index
    %get3A_12 = vector.load %arg3[%get3A_10, %get3A_11] : memref<512x5632xf32, #tpu.memory_space<vmem>>, vector<512x5632xf32>
    %mul3A = arith.constant -3.12519524E-6 : f32
    %mul3A_13 = vector.broadcast %mul3A : f32 to vector<512x1xf32>
    %mul3A_14 = arith.mulf %mul3A_13, %convert_element_type3A_9 : vector<512x1xf32>
    %mul3A_15 = arith.constant -0.899999976 : f32
    %mul3A_16 = vector.broadcast %mul3A_15 : f32 to vector<512x1xf32>
    %mul3A_17 = arith.mulf %mul3A_16, %convert_element_type3A_9 : vector<512x1xf32>
    %mul3A_18 = arith.constant 5632 : i32
    %mul3A_19 = arith.muli %arg1, %mul3A_18 : i32
    %sub3A = vector.broadcast %mul3A_19 : i32 to vector<512x1xi32>
    %sub3A_20 = arith.subi %get3A_5, %sub3A : vector<512x1xi32>
    %iota3A = tpu.iota {dimensions = array<i32: 1>} : vector<512x5632xi32>
    %eq3A_21 = vector.broadcast %sub3A_20 : vector<512x1xi32> to vector<512x5632xi32>
    %eq3A_22 = arith.cmpi eq, %iota3A, %eq3A_21 : vector<512x5632xi32>
    %broadcast_in_dim3A = vector.shape_cast %mul3A_17 : vector<512x1xf32> to vector<512x1xf32>
    %broadcast_in_dim3A_23 = vector.broadcast %broadcast_in_dim3A : vector<512x1xf32> to vector<512x5632xf32>
    %broadcast_in_dim3A_24 = vector.shape_cast %mul3A_14 : vector<512x1xf32> to vector<512x1xf32>
    %broadcast_in_dim3A_25 = vector.broadcast %broadcast_in_dim3A_24 : vector<512x1xf32> to vector<512x5632xf32>
    %select_n3A = arith.select %eq3A_22, %broadcast_in_dim3A_23, %broadcast_in_dim3A_25 : vector<512x5632xi1>, vector<512x5632xf32>
    %mul3A_26 = arith.mulf %get3A_12, %select_n3A : vector<512x5632xf32>
    %reduce_sum3A = vector.shape_cast %mul3A_26 : vector<512x5632xf32> to vector<1x512x5632xf32>
    %reduce_sum3A_27 = arith.constant dense<0.000000e+00> : vector<1xf32>
    %reduce_sum3A_28 = vector.multi_reduction <add>, %reduce_sum3A, %reduce_sum3A_27 [1, 2] : vector<1x512x5632xf32> to vector<1xf32>
    %reduce_sum3A_29 = vector.shape_cast %reduce_sum3A_28 : vector<1xf32> to vector<1x1x1xf32>
    %reduce_sum3A_30 = vector.extract %reduce_sum3A_29[0, 0, 0] : f32 from vector<1x1x1xf32>
    %slice3A = vector.extract_strided_slice %get3A_12 {offsets = [0, 0], sizes = [512, 1], strides = [1, 1]} : vector<512x5632xf32> to vector<512x1xf32>
    %mul3A_31 = arith.mulf %slice3A, %convert_element_type3A_9 : vector<512x1xf32>
    %reduce_sum3A_32 = vector.shape_cast %mul3A_31 : vector<512x1xf32> to vector<1x512x1xf32>
    %reduce_sum3A_33 = arith.constant dense<0.000000e+00> : vector<1xf32>
    %reduce_sum3A_34 = vector.multi_reduction <add>, %reduce_sum3A_32, %reduce_sum3A_33 [1, 2] : vector<1x512x1xf32> to vector<1xf32>
    %reduce_sum3A_35 = vector.shape_cast %reduce_sum3A_34 : vector<1xf32> to vector<1x1x1xf32>
    %reduce_sum3A_36 = vector.extract %reduce_sum3A_35[0, 0, 0] : f32 from vector<1x1x1xf32>
    %reduce_sum3A_37 = vector.shape_cast %convert_element_type3A_9 : vector<512x1xf32> to vector<1x512x1xf32>
    %reduce_sum3A_38 = arith.constant dense<0.000000e+00> : vector<1xf32>
    %reduce_sum3A_39 = vector.multi_reduction <add>, %reduce_sum3A_37, %reduce_sum3A_38 [1, 2] : vector<1x512x1xf32> to vector<1xf32>
    %reduce_sum3A_40 = vector.shape_cast %reduce_sum3A_39 : vector<1xf32> to vector<1x1x1xf32>
    %reduce_sum3A_41 = vector.extract %reduce_sum3A_40[0, 0, 0] : f32 from vector<1x1x1xf32>
    %eq3A_42 = arith.constant 0 : i32
    %eq3A_43 = arith.cmpi eq, %arg1, %eq3A_42 : i32
    %mul3A_44 = arith.constant 3.12519524E-6 : f32
    %mul3A_45 = arith.mulf %mul3A_44, %reduce_sum3A_36 : f32
    %mul3A_46 = arith.constant -1.3624258 : f32
    %mul3A_47 = arith.mulf %mul3A_46, %reduce_sum3A_41 : f32
    %add3A = arith.addf %mul3A_45, %mul3A_47 : f32
    %jit3A = arith.constant 0.000000e+00 : f32
    %select_n3A_48 = arith.select %eq3A_43, %add3A, %jit3A : f32
    %add3A_49 = arith.addf %reduce_sum3A_30, %select_n3A_48 : f32
    %get3A_50 = arith.constant 0 : index
    %get3A_51 = arith.constant 0 : index
    %get3A_52 = vector.load %arg4[%get3A_50, %get3A_51] : memref<1x1xf32, #tpu.memory_space<vmem>>, vector<1x1xf32>
    %add3A_53 = vector.broadcast %add3A_49 : f32 to vector<1x1xf32>
    %add3A_54 = arith.addf %get3A_52, %add3A_53 : vector<1x1xf32>
    %swap3A = arith.constant 0 : index
    %swap3A_55 = arith.constant 0 : index
    %swap3A_56 = vector.load %arg4[%swap3A, %swap3A_55] : memref<1x1xf32, #tpu.memory_space<vmem>>, vector<1x1xf32>
    tpu.vector_store %arg4[%swap3A, %swap3A_55], %add3A_54 {strides = array<i32>} : memref<1x1xf32, #tpu.memory_space<vmem>>, vector<1x1xf32>,
    return
  }
  func.func @transform_0(%arg0: i32, %arg1: i32) -> (i32, i32) {
    %c0_i32 = arith.constant 0 : i32
    %c0_i32_0 = arith.constant 0 : i32
    return %arg0, %c0_i32 : i32, i32
  }
  func.func @transform_1(%arg0: i32, %arg1: i32) -> (i32, i32) {
    %c0_i32 = arith.constant 0 : i32
    return %arg0, %arg1 : i32, i32
  }
  func.func @transform_2(%arg0: i32, %arg1: i32) -> (i32, i32) {
    %c0_i32 = arith.constant 0 : i32
    %c0_i32_0 = arith.constant 0 : i32
    %c0_i32_1 = arith.constant 0 : i32
    return %c0_i32, %c0_i32_0 : i32, i32
  }
}

module attributes {stable_mosaic.version = 14 : i64} {
  func.func @_combine_body(%arg0: memref<1x1xf32, #tpu.memory_space<vmem>>, %arg1: memref<32x16xf32, #tpu.memory_space<vmem>>, %arg2: memref<1x1xf32, #tpu.memory_space<vmem>>) attributes {dimension_semantics = [], scalar_prefetch = 0 : i64, scratch_operands = 0 : i64, tpu.core_type = #tpu.core_type<tc>} {
    %get3A = arith.constant 0 : index
    %get3A_0 = arith.constant 0 : index
    %get3A_1 = vector.load %arg0[%get3A, %get3A_0] : memref<1x1xf32, #tpu.memory_space<vmem>>, vector<1x1xf32>
    %get3A_2 = arith.constant 0 : index
    %get3A_3 = arith.constant 0 : index
    %get3A_4 = vector.load %arg1[%get3A_2, %get3A_3] : memref<32x16xf32, #tpu.memory_space<vmem>>, vector<32x16xf32>
    %reduce_sum3A = vector.shape_cast %get3A_4 : vector<32x16xf32> to vector<1x32x16xf32>
    %reduce_sum3A_5 = arith.constant dense<0.000000e+00> : vector<1xf32>
    %reduce_sum3A_6 = vector.multi_reduction <add>, %reduce_sum3A, %reduce_sum3A_5 [1, 2] : vector<1x32x16xf32> to vector<1xf32>
    %reduce_sum3A_7 = vector.shape_cast %reduce_sum3A_6 : vector<1xf32> to vector<1x1x1xf32>
    %reduce_sum3A_8 = vector.extract %reduce_sum3A_7[0, 0, 0] : f32 from vector<1x1x1xf32>
    %add3A = vector.broadcast %reduce_sum3A_8 : f32 to vector<1x1xf32>
    %add3A_9 = arith.addf %get3A_1, %add3A : vector<1x1xf32>
    %swap3A = arith.constant 0 : index
    %swap3A_10 = arith.constant 0 : index
    %swap3A_11 = vector.load %arg2[%swap3A, %swap3A_10] : memref<1x1xf32, #tpu.memory_space<vmem>>, vector<1x1xf32>
    tpu.vector_store %arg2[%swap3A, %swap3A_10], %add3A_9 {strides = array<i32>} : memref<1x1xf32, #tpu.memory_space<vmem>>, vector<1x1xf32>,
    return
  }
}

</mosaic_0001>

<sc_bundles>
// kernel: kernel.5.cloned.1.call-start
scs
__scs_entry_jumppad:
0x0: {  	(pc) =	sbr.rel $0x88, $3  }
0x1: {  	(tag) =	ssettag $0x0;
	lr =	simm.s32 $0x1  }
0x2: {  	[smem:$0x3F9F] =	sst lr;
	_ =	strace $0xD0000000  }
0x3: {  	_ = 	snop  }
0x4: {  	_ = 	snop  }
0x5: {  	_ = 	snop  }
0x6: {  	_ = 	snop  }
0x7: {  	_ = 	snop  }
__scs_overlays_trampoline_lowered:
0x8: {  	[smem:$0x3FAE] =	sst s0  }
0x9: {  	[smem:$0x3FAF] =	sst s1  }
0xa: {  	[smem:$0x3FB0] =	sst s2  }
0xb: {  	[smem:$0x3FB1] =	sst s3  }
0xc: {  	[smem:$0x3FB2] =	sst s4  }
0xd: {  	[smem:$0x3FB3] =	sst s5  }
0xe: {  	[smem:$0x3FB4] =	sst s6  }
0xf: {  	[smem:$0x3FB5] =	sst s7  }
0x10: {  	[smem:$0x3FB6] =	sst s8  }
0x11: {  	[smem:$0x3FB7] =	sst s9;
	s0 =	simm.s32 @!p0 $0x0  }
0x12: {  	s1 =	sld [smem:$0x3F9D];
	s0 =	simm.s32 @p0 $0x1  }
0x13: {  	[smem:$0x3FB8] =	sst s0;
	s0 =	simm.s32 @!p1 $0x0  }
0x14: {  	s2 =	sld [smem:$0x3F9C];
	s0 =	simm.s32 @p1 $0x1  }
0x15: {  	[smem:$0x3FB9] =	sst s0;
	s0 =	simm.s32 @!p2 $0x0  }
0x16: {  	s3 =	sld [smem:$0x3FDB];
	s0 =	simm.s32 @p2 $0x1  }
0x17: {  	s4 =	simm.s32 $0x1BF5;
	[smem:$0x3FBB] =	sst s0  }
0x18: {  	s0 =	sld [smem:$0x3F9E];
	_ =	swait.ge [sflag:s4], $0x0  }
0x19: {  	s7 =	sld [smem:$0x3F9F]  }
0x1a: {  	s8 =	sadd.s32 $0xFFFFE003, lr  }
0x1b: {  	s9 =	sadd.s32 $0xFFFFFEF7, lr;
	s5 =	simm.s32 $0xFFFFFFFF;
	p2 =	slt.u32 s8, $0xFFFFF086  }
0x1c: {  	p1 =	slt.u32 s9, $0xF7A;
	s5 =	simm.s32 @!p2 $0x0  }
0x1d: {  	s5 =	simm.s32 @p1 $0x1;
	p0 =	seq.s32 s7, s2  }
0x1e: {  	s7 =	smul.u32 @!p0 $0xF7A, s2;
	p2 =	seq.s32 @!p0 s5, $0x0  }
0x1f: {  	s9 =	smul.u32 $0xF7A, s1;
	s8 =	simm.s32 @!p0 $0x1BF5;
	p2 =	por !p2, p0  }
0x20: {  	[sflag:s8] =	ssyncset.s32 @!p0 $0xFFFFF086;
	s6 =	sadd.s32 @!p0 s3, s7;
	s7 =	simm.s32 @!p0 $0x108  }
0x21: {  	s3 =	sadd.s32 s3, s9;
	s6 =	sadd.s32 @!p0 $0x88, s6;
	s7 =	simm.s32 @p2 $0x1082  }
0x22: {  	[simem:s7], [sflag:s8] =	dma.local @!p0 [hbm:s6], $0xF7A  }
0x23: {  	s9 =	sor.u32 $0xD0000000, s2;
	s6 =	simm.s32 $0x108;
	_ =	swait.ge @!p0 [sflag:s8], $0x0  }
0x24: {  	s3 =	sadd.s32 $0x88, s3;
	s6 =	simm.s32 @!p1 $0x1082;
	[sflag:s4] =	ssyncset.s32 $0xFFFFF086  }
0x25: {  	[simem:s6], [sflag:s4] =	dma.local [hbm:s3], $0xF7A  }
0x26: {  	[smem:$0x3F9F] =	sst s1;
	(tag) =	ssettag s2;
	_ =	strace s9  }
0x27: {  	s1 =	sld [smem:$0x3FAF]  }
0x28: {  	s2 =	sld [smem:$0x3FB0]  }
0x29: {  	s4 =	sld [smem:$0x3FB2]  }
0x2a: {  	p0 =	seq.s32 s5, $0x0;
	s5 =	sld [smem:$0x3FB3]  }
0x2b: {  	s6 =	sld [smem:$0x3FB4]  }
0x2c: {  	s7 =	sld [smem:$0x3FB5]  }
0x2d: {  	s3 =	simm.s32 $0x108;
	s8 =	sld [smem:$0x3FB6]  }
0x2e: {  	s3 =	simm.s32 @!p0 $0x1082;
	s9 =	sld [smem:$0x3FB7]  }
0x2f: {  	lr =	sadd.s32 s0, s3;
	s0 =	sld [smem:$0x3FAE]  }
0x30: {  	s3 =	sld [smem:$0x3FB1]  }
0x31: {  	[smem:$0x3FBA] =	sst s10  }
0x32: {  	s10 =	sld [smem:$0x3FB8];
	_ =	sdelay $0x3  }
0x33: {  	p0 =	seq.s32 s10, $0x1;
	s10 =	sld [smem:$0x3FBA];
	_ =	sdelay $0x3  }
0x34: {  	[smem:$0x3FBA] =	sst s10  }
0x35: {  	s10 =	sld [smem:$0x3FB9];
	_ =	sdelay $0x3  }
0x36: {  	p1 =	seq.s32 s10, $0x1;
	s10 =	sld [smem:$0x3FBA];
	_ =	sdelay $0x3  }
0x37: {  	[smem:$0x3FBA] =	sst s10  }
0x38: {  	s10 =	sld [smem:$0x3FBB]  }
0x39: {  	_ = 	snop;
	(pc) =	sbr.ind lr, $3  }
0x3a: {  	_ = 	snop  }
0x3b: {  	_ = 	snop  }
0x3c: {  	p2 =	seq.s32 s10, $0x1;
	s10 =	sld [smem:$0x3FBA]  }
0x3d: {  	_ =	shalt  }
0x3e: {  	_ =	shalt  }
0x3f: {  	_ =	shalt  }
0x40: {  	_ =	shalt  }
0x41: {  	_ =	shalt  }
0x42: {  	_ =	shalt  }
0x43: {  	_ =	shalt  }
0x44: {  	_ =	shalt  }
0x45: {  	_ =	shalt  }
0x46: {  	_ =	shalt  }
0x47: {  	_ =	shalt  }
0x48: {  	_ =	shalt  }
0x49: {  	_ =	shalt  }
0x4a: {  	_ =	shalt  }
0x4b: {  	_ =	shalt  }
0x4c: {  	_ =	shalt  }
0x4d: {  	_ =	shalt  }
0x4e: {  	_ =	shalt  }
0x4f: {  	_ =	shalt  }
0x50: {  	_ =	shalt  }
0x51: {  	_ =	shalt  }
0x52: {  	_ =	shalt  }
0x53: {  	_ =	shalt  }
0x54: {  	_ =	shalt  }
0x55: {  	_ =	shalt  }
0x56: {  	_ =	shalt  }
0x57: {  	_ =	shalt  }
0x58: {  	_ =	shalt  }
0x59: {  	_ =	shalt  }
0x5a: {  	_ =	shalt  }
0x5b: {  	_ =	shalt  }
0x5c: {  	_ =	shalt  }
0x5d: {  	_ =	shalt  }
0x5e: {  	_ =	shalt  }
0x5f: {  	_ =	shalt  }
0x60: {  	_ =	shalt  }
0x61: {  	_ =	shalt  }
0x62: {  	_ =	shalt  }
0x63: {  	_ =	shalt  }
0x64: {  	_ =	shalt  }
0x65: {  	_ =	shalt  }
0x66: {  	_ =	shalt  }
0x67: {  	_ =	shalt  }
0x68: {  	_ =	shalt  }
0x69: {  	_ =	shalt  }
0x6a: {  	_ =	shalt  }
0x6b: {  	_ =	shalt  }
0x6c: {  	_ =	shalt  }
0x6d: {  	_ =	shalt  }
0x6e: {  	_ =	shalt  }
0x6f: {  	_ =	shalt  }
0x70: {  	_ =	shalt  }
0x71: {  	_ =	shalt  }
0x72: {  	_ =	shalt  }
0x73: {  	_ =	shalt  }
0x74: {  	_ =	shalt  }
0x75: {  	_ =	shalt  }
0x76: {  	_ =	shalt  }
0x77: {  	_ =	shalt  }
0x78: {  	_ =	shalt  }
0x79: {  	_ =	shalt  }
0x7a: {  	_ =	shalt  }
0x7b: {  	_ =	shalt  }
0x7c: {  	_ =	shalt  }
0x7d: {  	_ =	shalt  }
0x7e: {  	_ =	shalt  }
0x7f: {  	_ =	shalt  }
0x80: {  	_ =	shalt  }
0x81: {  	_ =	shalt  }
0x82: {  	_ =	shalt  }
0x83: {  	_ =	shalt  }
0x84: {  	_ =	shalt  }
0x85: {  	_ =	shalt  }
0x86: {  	_ =	shalt  }
0x87: {  	_ =	shalt  }
.Lfunc_end0:
.L_simem_size_0:
called_computation_lowered:
.L_overlay_start_0:
0x88: {  	s2 =	sld [smem:$0x3FD9]  }
0x89: {  	s3 =	sld [smem:$0x3FFE];
	_ =	sdelay $0x1  }
0x8a: {  	s1 =	srdreg.scid  }
0x8b: {  	s0 =	sand.u32 $0x1, s1  }
0x8c: {  	s17 =	sshll.u32 s0, $0xA;
	s2 =	sadd.s32 s3, s2  }
0x8d: {  	s2 =	sadd.s32 s2, s17  }
0x8e: {  	[smem:$0x3FC6] =	sst s2  }
0x8f: {  	_ = 	snop  }
0x90: {  	s2 =	sld [smem:$0x3FC9];
	(tm) =	ssettm $0x1  }
0x91: {  	s18 =	sld [smem:$0x3FFB];
	_ =	sdelay $0x3  }
0x92: {  	_ =	strace s18  }
0x93: {  	s3 =	sld [smem:$0x3FFC];
	_ =	sdelay $0x3  }
0x94: {  	_ =	strace s3  }
0x95: {  	s3 =	sld [smem:$0x3FFD];
	_ =	sdelay $0x3  }
0x96: {  	_ =	strace s3  }
0x97: {  	_ =	strace $0x8FFFFFFF  }
0x98: {  	s19 =	sld [smem:$0x3FDB];
	_ =	sdelay $0x1  }
0x99: {  	s4 =	simm.s32 $_scs_section_size  }
0x9a: {  	s5 =	simm.s32 $_size__tile_overlayer_lowered;
	s6 =	simm.s32 $_tile_overlayer_lowered  }
0x9b: {  	s22 =	simm.s32 $0x1BFF;
	s21 =	sshll.u32 s6, $0x1;
	s3 =	sadd.s32 s4, s19  }
0x9c: {  	s7 =	simm.s32 $0x0;
	s20 =	sshll.u32 s5, $0x1;
	s5 =	sadd.s32 s21, s3  }
0x9d: {  	[timem:s7], [sflag:s22] =	dma.local [hbm:s5], s20  }
0x9e: {  	_ =	swait.ge [sflag:s22], s20  }
0x9f: {  	s4 =	ssub.s32 $0x0, s20;
	[sflag:s22] =	ssyncset.done $0x0  }
0xa0: {  	[sflag:s22] =	ssyncadd.s32 s4;
	_ =	sdelay $0x1  }
0xa1: {  	s23 =	simm.s32 $0x1B8B  }
0xa2: {  	_ =	swait.ge [sflag:s23], $0x1  }
0xa3: {  	[sflag:s23] =	ssyncset.done $0x0  }
0xa4: {  	s25 =	simm.s32 $0x1B8E;
	s24 =	sld [smem:$0x3FFE];
	[sflag:s23] =	ssyncadd.s32 $0xFFFFFFFF  }
0xa5: {  	s26 =	simm.s32 $execute0_lowered;
	[smem:$0x3FD2] =	sst s25  }
0xa6: {  	s5 =	sshll.u32 s26, $0x1;
	_ =	strace $0x80000046;
	[dreg:$0x1] =	wrdreg $0xFFFFFFFF  }
0xa7: {  	s28 =	simm.s32 $_size_execute0_lowered;
	s3 =	sadd.s32 s3, s5;
	[dreg:$0x0] =	wrdreg $0x0  }
0xa8: {  	s5 =	sshll.u32 s28, $0x1;
	[dreg:$0x2] =	wrdreg s3  }
0xa9: {  	[dreg:$0x3] =	wrdreg s5  }
0xaa: {  	[dreg:$0x4] =	wrdreg $0xC0  }
0xab: {  	_ =	task [dreg:s7], $0x5FFFF  }
0xac: {  	[dreg:$0x1] =	wrdreg $0xFFFFFFFF  }
0xad: {  	[dreg:$0x0] =	wrdreg $0x60  }
0xae: {  	[dreg:$0x2] =	wrdreg s2  }
0xaf: {  	[dreg:$0x3] =	wrdreg s24  }
0xb0: {  	[dreg:$0x4] =	wrdreg $0x9  }
0xb1: {  	_ =	task.clear_ibuf [dreg:s7], $0x5FFFF;
	_ =	strace $0x90000046  }
0xb2: {  	s29 =	simm.s32 $0x9;
	_ =	strace $0x80000048  }
0xb3: {  	_ =	swait.ge [sflag:s29], $0x1  }
0xb4: {  	[sflag:s29] =	ssyncadd.s32 $0xFFFFFFFF  }
0xb5: {  	_ =	strace $0x90000048  }
0xb6: {  	_ =	sfence  }
0xb7: {  	s30 =	sld [smem:$0x0];
	_ =	sdelay $0x2  }
0xb8: {  	s31 =	sshll.u32 s1, $0xD;
	s1 =	sshrl.u32 s1, $0x2  }
0xb9: {  	s3 =	sand.u32 $0x4000, s31;
	s1 =	sadd.s32 s1, s30  }
0xba: {  	s0 =	sor.u32 s3, s0;
	s1 =	sshll.u32 s1, $0x11  }
0xbb: {  	s0 =	sor.u32 s1, s0  }
0xbc: {  	s0 =	sadd.s32 $0x8F2B, s0  }
0xbd: {  	[sflag:s0] =	ssyncadd.remote.s32 $0x1  }
0xbe: {  	_ =	sfence.sel $0xFFFF  }
0xbf: {  	[dreg:$0x0] =	wrdreg $0xFFFFFFFF;
	(pc) =	sbr.abs _section_cstart, $3  }
0xc0: {  	[dreg:$0x1] =	wrdreg $0xFFFFFFFF  }
0xc1: {  	_ =	task.clear_ibuf [dreg:s7], $0x2FFFF;
	_ =	strace $0x9FFFFFFF  }
0xc2: {  	(tm) =	ssettm $0x7FFFFFFF  }
0xc3: {  	_ =	shalt  }
tec
execute0_lowered:
.L_overlay_start_1:
0x0: {  	(tag) =	ssettag $0x1  }
0x1: {  	s1 =	rddreg [dreg:$0x0]  }
0x2: {  	s5 =	rddreg [dreg:$0x1]  }
0x3: {  	s0 =	rddreg [dreg:$0x2];
	s3 =	simm.s32 $0x0;
	s4 =	srdreg.scid  }
0x4: {  	s2 =	stileid.u32;
	s10 =	simm.s32 $0x1;
	s11 =	simm.s32 $0x13000  }
0x5: {  	[smem:$0x7FF] =	sst s3;
	s6 =	sand.u32 $0x1, s4;
	s30 =	sshll.u32 s2, $0x1  }
0x6: {  	s12 =	simm.s32 $0x0;
	_ =	strace $0x80000047;
	s4 =	sor.u32 s6, s30  }
0x7: {  	v0 =	vlaneseq.u32;
	s6 =	ssub.s32 $0x2, s6;
	s7 =	sshll.u32 s4, $0x8;
	s4 =	sshll.u32 s4, $0x4  }
0x8: {  	v0 =	vmul.u32 $0xFFFFFFFF, v0;
	s31 =	sshrl.u32 s6, $0x1;
	s7 =	sadd.s32 s7, s5;
	s8 =	sadd.s32 s4, s5  }
0x9: {  	s9 =	ssub.s32 s6, s31;
	s5 =	sadd.s32 $0x800, s7;
	s6 =	sadd.s32 $0x2800, s8  }
0xa: {  	v1 =	vimm.f32 $0.0e+00;
	v0 =	vadd.s32 $0xFFFFA800, v0;
	s7 =	smax.u32 s9, $0x1;
	s8 =	simm.s32 $0x2;
	s9 =	simm.s32 $0x800  }
.LBB2_1:
0xb: {  	[tilespmem:s3], [sflag:$0x2] =	stream.linear.gather [hbm4b:s5+s3], $0x800, $0x38;
	[tilespmem:$0x13080] =	vst v63  }
0xc: {  	_ =	swait.ge [sflag:s8], $0x800  }
0xd: {  	[sflag:s8] =	ssyncset.done $0x0  }
0xe: {  	v2 =	vimm.f32 $0.0e+00;
	s13 =	simm.s32 $0x0;
	[sflag:s8] =	ssyncadd.s32 $0xFFFFF800  }
.LBB2_2:
0xf: {  	s14 =	sadd.s32 s4, s13  }
0x10: {  	s14 =	smul.u32 $0x3E800, s14;
	_ =	sdelay $0x1  }
0x11: {  	s14 =	sshrl.u32 s14, $0x3  }
0x12: {  	s14 =	sadd.s32 s1, s14  }
0x13: {  	s14 =	sadd.s32 $0x5800, s14  }
0x14: {  	[tilespmem:s9], [sflag:$0x1] =	stream.linear.gather [hbm4b:s14+s3], $0x12800, $0x38;
	[tilespmem:$0x13080] =	vst v63  }
0x15: {  	_ =	swait.ge [sflag:s10], $0x12800  }
0x16: {  	s28 =	sshll.u32 s13, $0x7;
	[sflag:s10] =	ssyncset.done $0x0  }
0x17: {  	s14 =	sand.u32 $0x3FFFFF80, s28;
	[sflag:s10] =	ssyncadd.s32 $0xFFFED800  }
0x18: {  	s15 =	simm.s32 $0x840;
	v3 =	vld [tilespmem:s14+$0x0]  }
0x19: {  	v6 =	vld [tilespmem:s15+$0xFFFFFFD0]  }
0x1a: {  	v8 =	vld [tilespmem:s15+$0x0]  }
0x1b: {  	v5 =	vld [tilespmem:s15+$0xFFFFFFC0]  }
0x1c: {  	v10 =	vld [tilespmem:s15+$0xFFFFFFE0]  }
0x1d: {  	s17 =	simm.s32 $0x40;
	s18 =	simm.s32 $0x60;
	v9 =	vld [tilespmem:s15+$0x10];
	v4 =	vadd.s32 v0, v3  }
0x1e: {  	s19 =	simm.s32 $0x0;
	s20 =	simm.s32 $0x20;
	s29 =	simm.s32 $0x50;
	v11 =	vld [tilespmem:s15+$0xFFFFFFF0];
	v12 =	vadd.f32 v6, v1;
	vm2 =	veq.s32 v4, s17;
	vm1 =	veq.s32 v4, s18  }
0x1f: {  	s30 =	simm.s32 $0x10;
	vm3 =	veq.s32 v4, s19;
	vm4 =	veq.s32 v4, s20;
	vm5 =	veq.s32 v4, s29  }
0x20: {  	v16 =	vld [tilespmem:s15+$0x20];
	vm15 =	veq.s32 v4, s30;
	v7 =	vnsel vm3, $0x0, v5;
	v5 =	vadd.f32 v5, v1  }
0x21: {  	s31 =	simm.s32 $0x30;
	v6 =	vnsel vm15, $0x0, v6;
	v15 =	vnsel vm4, $0x0, v10;
	v10 =	vadd.f32 v10, v1  }
0x22: {  	v17 =	vld [tilespmem:s15+$0x30];
	vm6 =	veq.s32 v4, s31;
	v13 =	vadd.f32 v7, v1;
	v14 =	vadd.f32 v6, v1  }
0x23: {  	s15 =	simm.s32 $0xC40;
	v18 =	vnsel vm6, $0x0, v11;
	v6 =	vadd.f32 v9, v12;
	v5 =	vadd.f32 v8, v5  }
0x24: {  	v7 =	vld [tilespmem:s15+$0x0];
	v9 =	vnsel vm5, $0x0, v9;
	v12 =	vadd.f32 v15, v13;
	v14 =	vadd.f32 v18, v14  }
0x25: {  	s16 =	simm.s32 $0x70;
	v10 =	vadd.f32 v16, v10;
	v13 =	vnsel vm2, $0x0, v8;
	v8 =	vld [tilespmem:s15+$0x10];
	v18 =	vadd.f32 v11, v1  }
0x26: {  	vm0 =	veq.s32 v4, s16;
	v11 =	vld [tilespmem:s15+$0xFFFFFFC0];
	v13 =	vadd.f32 v13, v12;
	v14 =	vadd.f32 v9, v14  }
0x27: {  	s16 =	simm.s32 $0xF0;
	s17 =	simm.s32 $0x170;
	v15 =	vnsel vm1, $0x0, v16;
	v16 =	vnsel vm0, $0x0, v17;
	v12 =	vld [tilespmem:s15+$0xFFFFFFD0];
	v9 =	vadd.f32 v17, v18  }
.LBB2_3:
0x28: {  	p0 =	sne.s32 s17, $0x24F0;
	v17 =	vld [tilespmem:s15+$0xFFFFFFE0];
	s18 =	sadd.s32 $0xFFFFFFD0, s16;
	s19 =	sadd.s32 $0xFFFFFFF0, s16;
	v13 =	vadd.f32 v15, v13;
	v14 =	vadd.f32 v16, v14  }
0x29: {  	s20 =	sadd.s32 $0xFFFFFF90, s16;
	s21 =	sadd.s32 $0xFFFFFFB0, s16;
	vm0 =	veq.s32 v4, s16;
	v15 =	vld [tilespmem:s15+$0xFFFFFFF0];
	vm2 =	veq.s32 v4, s18;
	s18 =	sadd.s32 $0xFFFFFFE0, s16;
	vm1 =	veq.s32 v4, s19  }
0x2a: {  	vm3 =	veq.s32 v4, s20;
	s19 =	sadd.s32 $0xFFFFFFA0, s16;
	vm4 =	veq.s32 v4, s21;
	s20 =	sadd.s32 $0xFFFFFFC0, s16;
	s16 =	smov.u32 s17;
	vm5 =	veq.s32 v4, s18  }
0x2b: {  	vm6 =	veq.s32 v4, s20;
	v16 =	vnsel vm3, $0x0, v11;
	vm3 =	veq.s32 v4, s19  }
0x2c: {  	v5 =	vadd.f32 v11, v5;
	v6 =	vadd.f32 v12, v6;
	v11 =	vnsel vm3, $0x0, v12;
	v18 =	vld [tilespmem:s15+$0x20]  }
0x2d: {  	v12 =	vadd.f32 v16, v13;
	v11 =	vadd.f32 v11, v14;
	v13 =	vnsel vm4, $0x0, v17;
	v16 =	vld [tilespmem:s15+$0x30]  }
.Ltmp0:
0x2e: {  	v5 =	vadd.f32 v7, v5;
	s15 =	sadd.s32 $0x400, s15;
	v14 =	vnsel vm6, $0x0, v15;
	v6 =	vadd.f32 v8, v6;
	(pc) =	sbr.rel @p0 .LBB2_3-.Ltmp0, $4  }
0x2f: {  	v12 =	vadd.f32 v13, v12;
	v13 =	vnsel vm2, $0x0, v7;
	v14 =	vadd.f32 v14, v11;
	v7 =	vld [tilespmem:s15+$0x0]  }
0x30: {  	v10 =	vadd.f32 v17, v10;
	v9 =	vadd.f32 v15, v9;
	v15 =	vnsel vm5, $0x0, v8;
	v8 =	vld [tilespmem:s15+$0x10]  }
0x31: {  	v13 =	vadd.f32 v13, v12;
	v11 =	vld [tilespmem:s15+$0xFFFFFFC0];
	v14 =	vadd.f32 v15, v14;
	v15 =	vnsel vm1, $0x0, v18  }
0x32: {  	s17 =	sadd.s32 $0x80, s17;
	v10 =	vadd.f32 v18, v10;
	v12 =	vld [tilespmem:s15+$0xFFFFFFD0];
	v9 =	vadd.f32 v16, v9;
	v16 =	vnsel vm0, $0x0, v16  }
0x33: {  	s17 =	sadd.s32 $0xFFFFFFD0, s16;
	s18 =	sadd.s32 $0xFFFFFFF0, s16;
	v13 =	vadd.f32 v15, v13  }
0x34: {  	v17 =	vld [tilespmem:s15+$0xFFFFFFE0];
	s19 =	sadd.s32 $0xFFFFFF90, s16;
	s31 =	sadd.s32 $0xFFFFFFB0, s16;
	s20 =	sadd.s32 $0xFFFFFFE0, s16;
	vm0 =	veq.s32 v4, s16;
	vm2 =	veq.s32 v4, s17;
	vm1 =	veq.s32 v4, s18  }
0x35: {  	v15 =	vld [tilespmem:s15+$0xFFFFFFF0];
	s21 =	sadd.s32 $0xFFFFFFC0, s16;
	vm3 =	veq.s32 v4, s19;
	s19 =	sadd.s32 $0xFFFFFFA0, s16;
	vm4 =	veq.s32 v4, s31;
	vm5 =	veq.s32 v4, s20  }
0x36: {  	vm6 =	veq.s32 v4, s21;
	vm15 =	veq.s32 v4, s19;
	v4 =	vadd.f32 v11, v5  }
0x37: {  	v14 =	vadd.f32 v16, v14;
	v16 =	vnsel vm3, $0x0, v11;
	v11 =	vld [tilespmem:s15+$0x20];
	v5 =	vadd.f32 v12, v6  }
0x38: {  	v6 =	vnsel vm15, $0x0, v12;
	v12 =	vadd.f32 v16, v13;
	v4 =	vadd.f32 v7, v4  }
0x39: {  	v6 =	vadd.f32 v6, v14;
	v13 =	vnsel vm4, $0x0, v17;
	v14 =	vld [tilespmem:s15+$0x30];
	v10 =	vadd.f32 v17, v10  }
0x3a: {  	v16 =	vnsel vm6, $0x0, v15;
	[tilespmem:$0x1FFA0] =	vst v4;
	v4 =	vadd.f32 v8, v5;
	v5 =	vadd.f32 v13, v12  }
0x3b: {  	v7 =	vnsel vm2, $0x0, v7;
	v9 =	vadd.f32 v15, v9;
	v6 =	vadd.f32 v16, v6  }
0x3c: {  	v8 =	vnsel vm5, $0x0, v8;
	[tilespmem:$0x1FFB0] =	vst v4;
	v4 =	vld [tilespmem:s14+$0x10];
	v5 =	vadd.f32 v7, v5;
	v7 =	vadd.f32 v11, v10  }
0x3d: {  	s22 =	simm.s32 $0x8F0;
	v6 =	vadd.f32 v8, v6;
	v8 =	vnsel vm1, $0x0, v11  }
0x3e: {  	v18 =	vld [tilespmem:s22+$0xFFFFFFB0];
	[tilespmem:$0x1FFC0] =	vst v7;
	v7 =	vadd.f32 v14, v9;
	v9 =	vnsel vm0, $0x0, v14;
	v5 =	vadd.f32 v8, v5  }
0x3f: {  	v12 =	vld [tilespmem:s22+$0xFFFFFF90];
	v6 =	vadd.f32 v9, v6  }
0x40: {  	[tilespmem:$0x1FFE0] =	vst v5;
	v5 =	vld [tilespmem:s22+$0xFFFFFFA0]  }
0x41: {  	s23 =	simm.s32 $0x70;
	s24 =	simm.s32 $0x40;
	s25 =	simm.s32 $0x60;
	v19 =	vld [tilespmem:s22+$0xFFFFFFC0];
	[tilespmem:$0x1FFF0] =	vst v6;
	v11 =	vadd.s32 v0, v4;
	v6 =	vimm.f32 $0.0e+00  }
0x42: {  	s26 =	simm.s32 $0x0;
	s28 =	simm.s32 $0x20;
	s29 =	simm.s32 $0x50;
	v16 =	vld [tilespmem:s22+$0xFFFFFFD0];
	vm2 =	veq.s32 v11, s24;
	vm9 =	veq.s32 v11, s25;
	vm10 =	veq.s32 v11, s23  }
0x43: {  	s30 =	simm.s32 $0x10;
	vm11 =	veq.s32 v11, s26;
	vm12 =	veq.s32 v11, s28;
	vm13 =	veq.s32 v11, s29  }
0x44: {  	v17 =	vld [tilespmem:s22+$0xFFFFFFE0];
	vm14 =	veq.s32 v11, s30;
	v25 =	vadd.f32 v18, v6;
	v13 =	vnsel vm11, $0x0, v12  }
0x45: {  	s31 =	simm.s32 $0x30;
	v23 =	vld [tilespmem:s22+$0xFFFFFFF0];
	v12 =	vadd.f32 v12, v6;
	v14 =	vadd.f32 v5, v6;
	v5 =	vnsel vm14, $0x0, v5  }
0x46: {  	v24 =	vld [tilespmem:s22+$0x0];
	vm15 =	veq.s32 v11, s31;
	v20 =	vadd.f32 v13, v6;
	v5 =	vadd.f32 v5, v6  }
0x47: {  	s15 =	simm.s32 $0xCF0;
	v21 =	vnsel vm12, $0x0, v18;
	v22 =	vnsel vm15, $0x0, v19;
	v12 =	vadd.f32 v16, v12  }
0x48: {  	v18 =	vld [tilespmem:s15+$0xFFFFFF90];
	v16 =	vnsel vm2, $0x0, v16;
	v20 =	vadd.f32 v21, v20;
	v5 =	vadd.f32 v22, v5  }
0x49: {  	v13 =	vld [tilespmem:s15+$0xFFFFFFD0];
	v6 =	vadd.f32 v19, v6;
	v15 =	vadd.f32 v17, v14;
	v17 =	vnsel vm13, $0x0, v17  }
0x4a: {  	v19 =	vld [tilespmem:s15+$0xFFFFFFA0];
	v20 =	vadd.f32 v16, v20;
	v22 =	vnsel vm9, $0x0, v23;
	v21 =	vadd.f32 v17, v5  }
0x4b: {  	s16 =	simm.s32 $0xF0;
	s17 =	simm.s32 $0x170;
	[tilespmem:$0x1FFD0] =	vst v7;
	v14 =	vld [tilespmem:s15+$0xFFFFFFE0];
	v16 =	vadd.f32 v24, v6;
	v17 =	vadd.f32 v23, v25;
	v5 =	vnsel vm10, $0x0, v24  }
.LBB2_5:
0x4c: {  	p0 =	sne.s32 s17, $0x24F0;
	v6 =	vld [tilespmem:s15+$0xFFFFFFB0];
	s18 =	sadd.s32 $0xFFFFFFD0, s16;
	s19 =	sadd.s32 $0xFFFFFFF0, s16;
	v20 =	vadd.f32 v22, v20;
	v5 =	vadd.f32 v5, v21  }
0x4d: {  	s20 =	sadd.s32 $0xFFFFFF90, s16;
	s21 =	sadd.s32 $0xFFFFFFB0, s16;
	vm0 =	veq.s32 v11, s16;
	v21 =	vld [tilespmem:s15+$0xFFFFFFC0];
	vm2 =	veq.s32 v11, s18;
	s18 =	sadd.s32 $0xFFFFFFE0, s16;
	vm1 =	veq.s32 v11, s19  }
0x4e: {  	vm3 =	veq.s32 v11, s20;
	s19 =	sadd.s32 $0xFFFFFFA0, s16;
	vm4 =	veq.s32 v11, s21;
	s20 =	sadd.s32 $0xFFFFFFC0, s16;
	s16 =	smov.u32 s17;
	vm5 =	veq.s32 v11, s18  }
0x4f: {  	vm6 =	veq.s32 v11, s20;
	v22 =	vnsel vm3, $0x0, v18;
	vm3 =	veq.s32 v11, s19  }
0x50: {  	v12 =	vadd.f32 v18, v12;
	v15 =	vadd.f32 v19, v15;
	v18 =	vnsel vm3, $0x0, v19;
	v23 =	vld [tilespmem:s15+$0xFFFFFFF0]  }
0x51: {  	v19 =	vadd.f32 v22, v20;
	v5 =	vadd.f32 v18, v5;
	v18 =	vnsel vm4, $0x0, v6;
	v24 =	vld [tilespmem:s15+$0x0]  }
.Ltmp1:
0x52: {  	v12 =	vadd.f32 v13, v12;
	s15 =	sadd.s32 $0x400, s15;
	v20 =	vnsel vm6, $0x0, v21;
	v15 =	vadd.f32 v14, v15;
	(pc) =	sbr.rel @p0 .LBB2_5-.Ltmp1, $4  }
0x53: {  	v19 =	vadd.f32 v18, v19;
	v5 =	vadd.f32 v20, v5;
	v20 =	vnsel vm2, $0x0, v13;
	v13 =	vld [tilespmem:s15+$0xFFFFFFD0]  }
0x54: {  	v6 =	vadd.f32 v6, v17;
	v17 =	vnsel vm5, $0x0, v14;
	v16 =	vadd.f32 v21, v16;
	v14 =	vld [tilespmem:s15+$0xFFFFFFE0]  }
0x55: {  	v20 =	vadd.f32 v20, v19;
	v18 =	vld [tilespmem:s15+$0xFFFFFF90];
	v21 =	vadd.f32 v17, v5;
	v22 =	vnsel vm1, $0x0, v23  }
0x56: {  	s17 =	sadd.s32 $0x80, s17;
	v17 =	vadd.f32 v23, v6;
	v19 =	vld [tilespmem:s15+$0xFFFFFFA0];
	v16 =	vadd.f32 v24, v16;
	v5 =	vnsel vm0, $0x0, v24  }
0x57: {  	s17 =	sadd.s32 $0xFFFFFFD0, s16;
	s18 =	sadd.s32 $0xFFFFFFF0, s16;
	v20 =	vadd.f32 v22, v20;
	v5 =	vadd.f32 v5, v21;
	s19 =	sadd.s32 $0xFFFFFF90, s16;
	vm0 =	veq.s32 v11, s16  }
0x58: {  	v6 =	vld [tilespmem:s15+$0xFFFFFFB0];
	s31 =	sadd.s32 $0xFFFFFFB0, s16;
	s20 =	sadd.s32 $0xFFFFFFE0, s16;
	s21 =	sadd.s32 $0xFFFFFFC0, s16;
	vm2 =	veq.s32 v11, s17;
	vm1 =	veq.s32 v11, s18;
	vm3 =	veq.s32 v11, s19  }
0x59: {  	v21 =	vld [tilespmem:s15+$0xFFFFFFC0];
	s19 =	sadd.s32 $0xFFFFFFA0, s16;
	vm4 =	veq.s32 v11, s31;
	vm5 =	veq.s32 v11, s20;
	vm6 =	veq.s32 v11, s21  }
0x5a: {  	vm15 =	veq.s32 v11, s19;
	v22 =	vnsel vm3, $0x0, v18;
	v11 =	vadd.f32 v18, v12  }
0x5b: {  	v15 =	vadd.f32 v19, v15;
	v12 =	vnsel vm15, $0x0, v19;
	v19 =	vadd.f32 v22, v20;
	v22 =	vld [tilespmem:s15+$0x0]  }
0x5c: {  	v18 =	vld [tilespmem:s15+$0xFFFFFFF0];
	v5 =	vadd.f32 v12, v5  }
0x5d: {  	v20 =	vnsel vm4, $0x0, v6;
	v7 =	vadd.f32 v13, v11;
	v6 =	vadd.f32 v6, v17  }
0x5e: {  	v23 =	vnsel vm6, $0x0, v21;
	v11 =	vld [tilespmem:s14+$0x20];
	v16 =	vadd.f32 v21, v16;
	v19 =	vadd.f32 v20, v19  }
0x5f: {  	s22 =	simm.s32 $0x970;
	v13 =	vnsel vm2, $0x0, v13;
	v15 =	vadd.f32 v14, v15;
	v5 =	vadd.f32 v23, v5  }
0x60: {  	v25 =	vld [tilespmem:s22+$0xFFFFFFB0];
	v14 =	vnsel vm5, $0x0, v14;
	[tilespmem:$0x1FF70] =	vst v7;
	v19 =	vadd.f32 v13, v19;
	v7 =	vadd.f32 v22, v16  }
0x61: {  	v17 =	vadd.f32 v18, v6;
	v6 =	vld [tilespmem:s22+$0xFFFFFF90];
	v5 =	vadd.f32 v14, v5;
	v14 =	vnsel vm1, $0x0, v18  }
0x62: {  	v16 =	vnsel vm0, $0x0, v22;
	[tilespmem:$0x1FF80] =	vst v7;
	v7 =	vadd.f32 v14, v19;
	v19 =	vld [tilespmem:s22+$0xFFFFFFA0]  }
0x63: {  	s23 =	simm.s32 $0x70;
	s24 =	simm.s32 $0x40;
	s25 =	simm.s32 $0x60;
	v26 =	vld [tilespmem:s22+$0xFFFFFFC0];
	v18 =	vadd.s32 v0, v11;
	v16 =	vadd.f32 v16, v5;
	v5 =	vimm.f32 $0.0e+00  }
0x64: {  	s26 =	simm.s32 $0x0;
	s28 =	simm.s32 $0x20;
	s29 =	simm.s32 $0x50;
	v23 =	vld [tilespmem:s22+$0xFFFFFFD0];
	vm2 =	veq.s32 v18, s24;
	vm9 =	veq.s32 v18, s25;
	vm10 =	veq.s32 v18, s23  }
0x65: {  	s30 =	simm.s32 $0x10;
	s31 =	simm.s32 $0x30;
	vm11 =	veq.s32 v18, s26;
	vm12 =	veq.s32 v18, s28;
	vm13 =	veq.s32 v18, s29  }
0x66: {  	v24 =	vld [tilespmem:s22+$0xFFFFFFE0];
	vm14 =	veq.s32 v18, s30;
	vm15 =	veq.s32 v18, s31;
	v20 =	vnsel vm11, $0x0, v6  }
0x67: {  	v30 =	vld [tilespmem:s22+$0xFFFFFFF0];
	v6 =	vadd.f32 v6, v5;
	v21 =	vadd.f32 v19, v5;
	v19 =	vnsel vm14, $0x0, v19  }
0x68: {  	v31 =	vld [tilespmem:s22+$0x0];
	v28 =	vnsel vm12, $0x0, v25;
	v22 =	vadd.f32 v20, v5;
	v27 =	vadd.f32 v19, v5  }
0x69: {  	s15 =	simm.s32 $0xD70;
	v29 =	vnsel vm15, $0x0, v26;
	v32 =	vadd.f32 v25, v5;
	v19 =	vadd.f32 v23, v6  }
0x6a: {  	v25 =	vld [tilespmem:s15+$0xFFFFFF90];
	v6 =	vadd.f32 v28, v22;
	v23 =	vnsel vm2, $0x0, v23;
	v28 =	vadd.f32 v29, v27  }
0x6b: {  	v22 =	vld [tilespmem:s15+$0xFFFFFFE0];
	v5 =	vadd.f32 v26, v5;
	v20 =	vadd.f32 v24, v21;
	v24 =	vnsel vm13, $0x0, v24  }
0x6c: {  	v26 =	vld [tilespmem:s15+$0xFFFFFFA0];
	v27 =	vadd.f32 v23, v6;
	v29 =	vnsel vm9, $0x0, v30;
	v28 =	vadd.f32 v24, v28  }
0x6d: {  	s16 =	simm.s32 $0xF0;
	s17 =	simm.s32 $0x170;
	[tilespmem:$0x1FF90] =	vst v7;
	v21 =	vld [tilespmem:s15+$0xFFFFFFD0];
	v23 =	vadd.f32 v31, v5;
	v5 =	vnsel vm10, $0x0, v31;
	v24 =	vadd.f32 v30, v32  }
.LBB2_7:
0x6e: {  	p0 =	sne.s32 s17, $0x24F0;
	v6 =	vld [tilespmem:s15+$0xFFFFFFB0];
	s18 =	sadd.s32 $0xFFFFFFD0, s16;
	s19 =	sadd.s32 $0xFFFFFFF0, s16;
	v27 =	vadd.f32 v29, v27;
	v5 =	vadd.f32 v5, v28  }
0x6f: {  	s20 =	sadd.s32 $0xFFFFFF90, s16;
	s21 =	sadd.s32 $0xFFFFFFB0, s16;
	vm0 =	veq.s32 v18, s16;
	v28 =	vld [tilespmem:s15+$0xFFFFFFC0];
	vm2 =	veq.s32 v18, s18;
	s18 =	sadd.s32 $0xFFFFFFE0, s16;
	vm1 =	veq.s32 v18, s19  }
0x70: {  	vm3 =	veq.s32 v18, s20;
	s19 =	sadd.s32 $0xFFFFFFA0, s16;
	vm4 =	veq.s32 v18, s21;
	s20 =	sadd.s32 $0xFFFFFFC0, s16;
	s16 =	smov.u32 s17;
	vm5 =	veq.s32 v18, s18  }
0x71: {  	vm6 =	veq.s32 v18, s20;
	v29 =	vnsel vm3, $0x0, v25;
	vm3 =	veq.s32 v18, s19  }
0x72: {  	v19 =	vadd.f32 v25, v19;
	v20 =	vadd.f32 v26, v20;
	v25 =	vnsel vm3, $0x0, v26;
	v30 =	vld [tilespmem:s15+$0xFFFFFFF0]  }
0x73: {  	v26 =	vadd.f32 v29, v27;
	v5 =	vadd.f32 v25, v5;
	v25 =	vnsel vm4, $0x0, v6;
	v31 =	vld [tilespmem:s15+$0x0]  }
.Ltmp2:
0x74: {  	v19 =	vadd.f32 v21, v19;
	s15 =	sadd.s32 $0x400, s15;
	v27 =	vnsel vm6, $0x0, v28;
	v20 =	vadd.f32 v22, v20;
	(pc) =	sbr.rel @p0 .LBB2_7-.Ltmp2, $4  }
0x75: {  	v26 =	vadd.f32 v25, v26;
	v5 =	vadd.f32 v27, v5;
	v27 =	vnsel vm2, $0x0, v21;
	v21 =	vld [tilespmem:s15+$0xFFFFFFD0]  }
0x76: {  	v6 =	vadd.f32 v6, v24;
	v24 =	vnsel vm5, $0x0, v22;
	v23 =	vadd.f32 v28, v23;
	v22 =	vld [tilespmem:s15+$0xFFFFFFE0]  }
0x77: {  	v27 =	vadd.f32 v27, v26;
	v25 =	vld [tilespmem:s15+$0xFFFFFF90];
	v28 =	vadd.f32 v24, v5;
	v29 =	vnsel vm1, $0x0, v30  }
0x78: {  	s17 =	sadd.s32 $0x80, s17;
	v24 =	vadd.f32 v30, v6;
	v26 =	vld [tilespmem:s15+$0xFFFFFFA0];
	v23 =	vadd.f32 v31, v23;
	v5 =	vnsel vm0, $0x0, v31  }
0x79: {  	s17 =	sadd.s32 $0xFFFFFFD0, s16;
	v6 =	vld [tilespmem:s15+$0xFFFFFFB0];
	s18 =	sadd.s32 $0xFFFFFFF0, s16;
	v27 =	vadd.f32 v29, v27;
	v5 =	vadd.f32 v5, v28;
	s19 =	sadd.s32 $0xFFFFFF90, s16;
	vm0 =	veq.s32 v18, s16  }
0x7a: {  	s31 =	sadd.s32 $0xFFFFFFB0, s16;
	v28 =	vld [tilespmem:s15+$0xFFFFFFC0];
	s20 =	sadd.s32 $0xFFFFFFE0, s16;
	s21 =	sadd.s32 $0xFFFFFFC0, s16;
	vm2 =	veq.s32 v18, s17;
	vm1 =	veq.s32 v18, s18;
	vm3 =	veq.s32 v18, s19  }
0x7b: {  	s19 =	sadd.s32 $0xFFFFFFA0, s16;
	vm4 =	veq.s32 v18, s31;
	vm5 =	veq.s32 v18, s20;
	vm6 =	veq.s32 v18, s21  }
0x7c: {  	vm15 =	veq.s32 v18, s19;
	v29 =	vnsel vm3, $0x0, v25;
	v18 =	vadd.f32 v25, v19  }
0x7d: {  	v25 =	vld [tilespmem:s15+$0xFFFFFFF0];
	v20 =	vadd.f32 v26, v20;
	v19 =	vnsel vm15, $0x0, v26;
	v26 =	vadd.f32 v29, v27  }
0x7e: {  	v29 =	vld [tilespmem:s15+$0x0];
	v5 =	vadd.f32 v19, v5;
	v27 =	vnsel vm4, $0x0, v6;
	v19 =	vadd.f32 v21, v18  }
0x7f: {  	v30 =	vnsel vm6, $0x0, v28;
	v18 =	vld [tilespmem:s14+$0x30];
	v6 =	vadd.f32 v6, v24;
	v26 =	vadd.f32 v27, v26  }
0x80: {  	s22 =	simm.s32 $0x9F0;
	v21 =	vnsel vm2, $0x0, v21;
	v23 =	vadd.f32 v28, v23;
	v5 =	vadd.f32 v30, v5  }
0x81: {  	v32 =	vld [tilespmem:s22+$0xFFFFFFB0];
	v20 =	vadd.f32 v22, v20;
	v22 =	vnsel vm5, $0x0, v22;
	v21 =	vadd.f32 v21, v26  }
0x82: {  	v26 =	vnsel vm1, $0x0, v25;
	v24 =	vadd.f32 v25, v6;
	v6 =	vld [tilespmem:s22+$0xFFFFFF90];
	v5 =	vadd.f32 v22, v5  }
0x83: {  	v22 =	vadd.f32 v29, v23;
	v23 =	vnsel vm0, $0x0, v29;
	v21 =	vadd.f32 v26, v21;
	v26 =	vld [tilespmem:s22+$0xFFFFFFA0]  }
0x84: {  	s23 =	simm.s32 $0x70;
	s24 =	simm.s32 $0x40;
	s25 =	simm.s32 $0x60;
	v33 =	vld [tilespmem:s22+$0xFFFFFFC0];
	v25 =	vadd.s32 v0, v18;
	v23 =	vadd.f32 v23, v5;
	v5 =	vimm.f32 $0.0e+00  }
0x85: {  	s26 =	simm.s32 $0x0;
	s28 =	simm.s32 $0x20;
	s29 =	simm.s32 $0x50;
	v30 =	vld [tilespmem:s22+$0xFFFFFFD0];
	vm2 =	veq.s32 v25, s24;
	vm9 =	veq.s32 v25, s25;
	vm10 =	veq.s32 v25, s23  }
0x86: {  	s30 =	simm.s32 $0x10;
	s31 =	simm.s32 $0x30;
	vm11 =	veq.s32 v25, s26;
	vm12 =	veq.s32 v25, s28;
	vm13 =	veq.s32 v25, s29  }
0x87: {  	v31 =	vld [tilespmem:s22+$0xFFFFFFE0];
	vm14 =	veq.s32 v25, s30;
	vm15 =	veq.s32 v25, s31;
	v27 =	vnsel vm11, $0x0, v6  }
0x88: {  	v37 =	vld [tilespmem:s22+$0xFFFFFFF0];
	v6 =	vadd.f32 v6, v5;
	v28 =	vadd.f32 v26, v5;
	v26 =	vnsel vm14, $0x0, v26  }
0x89: {  	v38 =	vld [tilespmem:s22+$0x0];
	v35 =	vnsel vm12, $0x0, v32;
	v29 =	vadd.f32 v27, v5;
	v34 =	vadd.f32 v26, v5  }
0x8a: {  	s15 =	simm.s32 $0xDF0;
	v36 =	vnsel vm15, $0x0, v33;
	v39 =	vadd.f32 v32, v5;
	v26 =	vadd.f32 v30, v6  }
0x8b: {  	v32 =	vld [tilespmem:s15+$0xFFFFFF90];
	v6 =	vadd.f32 v35, v29;
	v30 =	vnsel vm2, $0x0, v30;
	v63 =	vadd.f32 v36, v34  }
0x8c: {  	v29 =	vld [tilespmem:s15+$0xFFFFFFE0];
	v5 =	vadd.f32 v33, v5;
	v27 =	vadd.f32 v31, v28;
	v31 =	vnsel vm13, $0x0, v31  }
0x8d: {  	v33 =	vld [tilespmem:s15+$0xFFFFFFA0];
	v34 =	vadd.f32 v30, v6;
	v36 =	vnsel vm9, $0x0, v37;
	v35 =	vadd.f32 v31, v63  }
0x8e: {  	s16 =	simm.s32 $0xF0;
	s17 =	simm.s32 $0x170;
	v28 =	vld [tilespmem:s15+$0xFFFFFFD0];
	v30 =	vadd.f32 v38, v5;
	v5 =	vnsel vm10, $0x0, v38;
	v31 =	vadd.f32 v37, v39  }
.LBB2_9:
0x8f: {  	p0 =	sne.s32 s17, $0x24F0;
	v6 =	vld [tilespmem:s15+$0xFFFFFFB0];
	s18 =	sadd.s32 $0xFFFFFFD0, s16;
	s19 =	sadd.s32 $0xFFFFFFF0, s16;
	v34 =	vadd.f32 v36, v34;
	v5 =	vadd.f32 v5, v35  }
0x90: {  	s20 =	sadd.s32 $0xFFFFFF90, s16;
	s21 =	sadd.s32 $0xFFFFFFB0, s16;
	vm0 =	veq.s32 v25, s16;
	v35 =	vld [tilespmem:s15+$0xFFFFFFC0];
	vm2 =	veq.s32 v25, s18;
	s18 =	sadd.s32 $0xFFFFFFE0, s16;
	vm1 =	veq.s32 v25, s19  }
0x91: {  	vm3 =	veq.s32 v25, s20;
	s19 =	sadd.s32 $0xFFFFFFA0, s16;
	vm4 =	veq.s32 v25, s21;
	s20 =	sadd.s32 $0xFFFFFFC0, s16;
	s16 =	smov.u32 s17;
	vm5 =	veq.s32 v25, s18  }
0x92: {  	vm6 =	veq.s32 v25, s20;
	v36 =	vnsel vm3, $0x0, v32;
	vm3 =	veq.s32 v25, s19  }
0x93: {  	v26 =	vadd.f32 v32, v26;
	v27 =	vadd.f32 v33, v27;
	v32 =	vnsel vm3, $0x0, v33;
	v37 =	vld [tilespmem:s15+$0xFFFFFFF0]  }
0x94: {  	v33 =	vadd.f32 v36, v34;
	v5 =	vadd.f32 v32, v5;
	v32 =	vnsel vm4, $0x0, v6;
	v38 =	vld [tilespmem:s15+$0x0]  }
.Ltmp3:
0x95: {  	v26 =	vadd.f32 v28, v26;
	s15 =	sadd.s32 $0x400, s15;
	v34 =	vnsel vm6, $0x0, v35;
	v27 =	vadd.f32 v29, v27;
	(pc) =	sbr.rel @p0 .LBB2_9-.Ltmp3, $4  }
0x96: {  	v33 =	vadd.f32 v32, v33;
	v5 =	vadd.f32 v34, v5;
	v34 =	vnsel vm2, $0x0, v28;
	v28 =	vld [tilespmem:s15+$0xFFFFFFD0]  }
0x97: {  	v6 =	vadd.f32 v6, v31;
	v31 =	vnsel vm5, $0x0, v29;
	v30 =	vadd.f32 v35, v30;
	v29 =	vld [tilespmem:s15+$0xFFFFFFE0]  }
0x98: {  	v34 =	vadd.f32 v34, v33;
	v32 =	vld [tilespmem:s15+$0xFFFFFF90];
	v35 =	vadd.f32 v31, v5;
	v36 =	vnsel vm1, $0x0, v37  }
0x99: {  	s17 =	sadd.s32 $0x80, s17;
	v31 =	vadd.f32 v37, v6;
	v33 =	vld [tilespmem:s15+$0xFFFFFFA0];
	v30 =	vadd.f32 v38, v30;
	v5 =	vnsel vm0, $0x0, v38  }
0x9a: {  	s17 =	sadd.s32 $0xFFFFFFD0, s16;
	v6 =	vld [tilespmem:s15+$0xFFFFFFB0];
	s18 =	sadd.s32 $0xFFFFFFF0, s16;
	v34 =	vadd.f32 v36, v34;
	v5 =	vadd.f32 v5, v35;
	s19 =	sadd.s32 $0xFFFFFF90, s16;
	vm0 =	veq.s32 v25, s16  }
0x9b: {  	s31 =	sadd.s32 $0xFFFFFFB0, s16;
	v52 =	vld [tilespmem:s15+$0xFFFFFFC0];
	s20 =	sadd.s32 $0xFFFFFFE0, s16;
	s21 =	sadd.s32 $0xFFFFFFC0, s16;
	vm2 =	veq.s32 v25, s17;
	vm1 =	veq.s32 v25, s18;
	vm3 =	veq.s32 v25, s19  }
0x9c: {  	s19 =	sadd.s32 $0xFFFFFFA0, s16;
	vm4 =	veq.s32 v25, s31;
	vm5 =	veq.s32 v25, s20;
	vm6 =	veq.s32 v25, s21  }
0x9d: {  	vm15 =	veq.s32 v25, s19;
	v53 =	vnsel vm3, $0x0, v32;
	v25 =	vadd.f32 v32, v26  }
0x9e: {  	v54 =	vld [tilespmem:s15+$0xFFFFFFF0];
	v27 =	vadd.f32 v33, v27;
	v26 =	vnsel vm15, $0x0, v33;
	v55 =	vadd.f32 v53, v34  }
0x9f: {  	v57 =	vld [tilespmem:s15+$0x0];
	v5 =	vadd.f32 v26, v5;
	v56 =	vnsel vm4, $0x0, v6;
	v26 =	vadd.f32 v28, v25  }
0xa0: {  	v37 =	vnsel vm6, $0x0, v52;
	v25 =	vld [tilespmem:s14+$0x40];
	v6 =	vadd.f32 v6, v31;
	v33 =	vadd.f32 v56, v55  }
0xa1: {  	s22 =	simm.s32 $0xA70;
	v28 =	vnsel vm2, $0x0, v28;
	v30 =	vadd.f32 v52, v30;
	v5 =	vadd.f32 v37, v5  }
0xa2: {  	v58 =	vld [tilespmem:s22+$0xFFFFFFD0];
	v27 =	vadd.f32 v29, v27;
	v29 =	vnsel vm5, $0x0, v29;
	v33 =	vadd.f32 v28, v33  }
0xa3: {  	v31 =	vadd.f32 v54, v6;
	v6 =	vld [tilespmem:s22+$0xFFFFFF90];
	v5 =	vadd.f32 v29, v5;
	v29 =	vnsel vm1, $0x0, v54  }
0xa4: {  	v59 =	vld [tilespmem:s22+$0xFFFFFFA0];
	v28 =	vadd.f32 v57, v30;
	v30 =	vnsel vm0, $0x0, v57;
	v29 =	vadd.f32 v29, v33  }
0xa5: {  	s23 =	simm.s32 $0x70;
	s24 =	simm.s32 $0x40;
	s25 =	simm.s32 $0x60;
	v39 =	vld [tilespmem:s22+$0xFFFFFFB0];
	v32 =	vadd.s32 v0, v25;
	v30 =	vadd.f32 v30, v5;
	v5 =	vimm.f32 $0.0e+00  }
0xa6: {  	s26 =	simm.s32 $0x0;
	s28 =	simm.s32 $0x20;
	s29 =	simm.s32 $0x50;
	v40 =	vld [tilespmem:s22+$0xFFFFFFC0];
	vm2 =	veq.s32 v32, s24;
	vm9 =	veq.s32 v32, s25;
	vm10 =	veq.s32 v32, s23  }
0xa7: {  	s30 =	simm.s32 $0x10;
	s31 =	simm.s32 $0x30;
	vm11 =	veq.s32 v32, s26;
	vm12 =	veq.s32 v32, s28;
	vm13 =	veq.s32 v32, s29  }
0xa8: {  	v38 =	vld [tilespmem:s22+$0xFFFFFFE0];
	vm14 =	veq.s32 v32, s30;
	vm15 =	veq.s32 v32, s31;
	v60 =	vnsel vm11, $0x0, v6  }
0xa9: {  	v44 =	vld [tilespmem:s22+$0xFFFFFFF0];
	v6 =	vadd.f32 v6, v5;
	v61 =	vadd.f32 v59, v5;
	v33 =	vnsel vm14, $0x0, v59  }
0xaa: {  	v45 =	vld [tilespmem:s22+$0x0];
	v42 =	vnsel vm12, $0x0, v39;
	v62 =	vadd.f32 v60, v5;
	v41 =	vadd.f32 v33, v5  }
0xab: {  	s15 =	simm.s32 $0xE70;
	v43 =	vnsel vm15, $0x0, v40;
	v46 =	vadd.f32 v39, v5;
	v33 =	vadd.f32 v58, v6  }
0xac: {  	v35 =	vld [tilespmem:s15+$0xFFFFFFD0];
	v37 =	vnsel vm2, $0x0, v58;
	v6 =	vadd.f32 v42, v62;
	v63 =	vadd.f32 v43, v41  }
0xad: {  	v36 =	vld [tilespmem:s15+$0xFFFFFFE0];
	v5 =	vadd.f32 v40, v5;
	v34 =	vadd.f32 v38, v61;
	v38 =	vnsel vm13, $0x0, v38  }
0xae: {  	v39 =	vld [tilespmem:s15+$0xFFFFFF90];
	v43 =	vnsel vm9, $0x0, v44;
	v41 =	vadd.f32 v37, v6;
	v42 =	vadd.f32 v38, v63  }
0xaf: {  	s16 =	simm.s32 $0xF0;
	s17 =	simm.s32 $0x170;
	v40 =	vld [tilespmem:s15+$0xFFFFFFA0];
	v38 =	vadd.f32 v44, v46;
	v37 =	vadd.f32 v45, v5;
	v5 =	vnsel vm10, $0x0, v45  }
.LBB2_11:
0xb0: {  	p0 =	sne.s32 s17, $0x24F0;
	v6 =	vld [tilespmem:s15+$0xFFFFFFB0];
	s18 =	sadd.s32 $0xFFFFFFD0, s16;
	s19 =	sadd.s32 $0xFFFFFFF0, s16;
	v41 =	vadd.f32 v43, v41;
	v5 =	vadd.f32 v5, v42  }
0xb1: {  	s20 =	sadd.s32 $0xFFFFFF90, s16;
	s21 =	sadd.s32 $0xFFFFFFB0, s16;
	vm0 =	veq.s32 v32, s16;
	v42 =	vld [tilespmem:s15+$0xFFFFFFC0];
	vm2 =	veq.s32 v32, s18;
	s18 =	sadd.s32 $0xFFFFFFE0, s16;
	vm1 =	veq.s32 v32, s19  }
0xb2: {  	vm3 =	veq.s32 v32, s20;
	s19 =	sadd.s32 $0xFFFFFFA0, s16;
	vm4 =	veq.s32 v32, s21;
	s20 =	sadd.s32 $0xFFFFFFC0, s16;
	s16 =	smov.u32 s17;
	vm5 =	veq.s32 v32, s18  }
0xb3: {  	vm6 =	veq.s32 v32, s20;
	v43 =	vnsel vm3, $0x0, v39;
	vm3 =	veq.s32 v32, s19  }
0xb4: {  	v33 =	vadd.f32 v39, v33;
	v34 =	vadd.f32 v40, v34;
	v39 =	vnsel vm3, $0x0, v40;
	v44 =	vld [tilespmem:s15+$0xFFFFFFF0]  }
0xb5: {  	v40 =	vadd.f32 v43, v41;
	v5 =	vadd.f32 v39, v5;
	v39 =	vnsel vm4, $0x0, v6;
	v45 =	vld [tilespmem:s15+$0x0]  }
.Ltmp4:
0xb6: {  	v33 =	vadd.f32 v35, v33;
	s15 =	sadd.s32 $0x400, s15;
	v41 =	vnsel vm6, $0x0, v42;
	v34 =	vadd.f32 v36, v34;
	(pc) =	sbr.rel @p0 .LBB2_11-.Ltmp4, $4  }
0xb7: {  	v40 =	vadd.f32 v39, v40;
	v5 =	vadd.f32 v41, v5;
	v41 =	vnsel vm2, $0x0, v35;
	v35 =	vld [tilespmem:s15+$0xFFFFFFD0]  }
0xb8: {  	v6 =	vadd.f32 v6, v38;
	v38 =	vnsel vm5, $0x0, v36;
	v37 =	vadd.f32 v42, v37;
	v36 =	vld [tilespmem:s15+$0xFFFFFFE0]  }
0xb9: {  	v41 =	vadd.f32 v41, v40;
	v39 =	vld [tilespmem:s15+$0xFFFFFF90];
	v42 =	vadd.f32 v38, v5;
	v43 =	vnsel vm1, $0x0, v44  }
0xba: {  	s17 =	sadd.s32 $0x80, s17;
	v38 =	vadd.f32 v44, v6;
	v40 =	vld [tilespmem:s15+$0xFFFFFFA0];
	v37 =	vadd.f32 v45, v37;
	v5 =	vnsel vm0, $0x0, v45  }
0xbb: {  	s17 =	sadd.s32 $0xFFFFFFD0, s16;
	v6 =	vld [tilespmem:s15+$0xFFFFFFB0];
	s18 =	sadd.s32 $0xFFFFFFF0, s16;
	v41 =	vadd.f32 v43, v41;
	v5 =	vadd.f32 v5, v42;
	s19 =	sadd.s32 $0xFFFFFF90, s16;
	vm0 =	veq.s32 v32, s16  }
0xbc: {  	s31 =	sadd.s32 $0xFFFFFFB0, s16;
	v63 =	vld [tilespmem:s15+$0xFFFFFFC0];
	s20 =	sadd.s32 $0xFFFFFFE0, s16;
	s21 =	sadd.s32 $0xFFFFFFC0, s16;
	vm2 =	veq.s32 v32, s17;
	vm1 =	veq.s32 v32, s18;
	vm3 =	veq.s32 v32, s19  }
0xbd: {  	v51 =	vld [tilespmem:s15+$0xFFFFFFF0];
	s19 =	sadd.s32 $0xFFFFFFA0, s16;
	vm4 =	veq.s32 v32, s31;
	vm5 =	veq.s32 v32, s20;
	vm6 =	veq.s32 v32, s21  }
0xbe: {  	v54 =	vld [tilespmem:s15+$0x0];
	vm15 =	veq.s32 v32, s19;
	v55 =	vnsel vm2, $0x0, v35;
	v48 =	vnsel vm3, $0x0, v39  }
0xbf: {  	v32 =	vld [tilespmem:s14+$0x50];
	v49 =	vadd.f32 v39, v33;
	v34 =	vadd.f32 v40, v34;
	v50 =	vnsel vm15, $0x0, v40  }
0xc0: {  	v56 =	vnsel vm5, $0x0, v36;
	v52 =	vadd.f32 v48, v41;
	v5 =	vadd.f32 v50, v5  }
0xc1: {  	v53 =	vnsel vm4, $0x0, v6;
	v33 =	vadd.f32 v35, v49;
	v44 =	vnsel vm6, $0x0, v63  }
0xc2: {  	s22 =	simm.s32 $0xAF0;
	v6 =	vadd.f32 v6, v38;
	v37 =	vadd.f32 v63, v37;
	v57 =	vnsel vm1, $0x0, v51  }
0xc3: {  	v59 =	vld [tilespmem:s22+$0xFFFFFFA0];
	v58 =	vnsel vm0, $0x0, v54;
	v34 =	vadd.f32 v36, v34;
	v40 =	vadd.f32 v53, v52  }
0xc4: {  	s24 =	simm.s32 $0x40;
	v5 =	vadd.f32 v44, v5;
	v38 =	vadd.f32 v51, v6;
	v6 =	vld [tilespmem:s22+$0xFFFFFF90];
	v39 =	vadd.s32 v0, v32  }
0xc5: {  	s23 =	simm.s32 $0x70;
	s25 =	simm.s32 $0x60;
	v46 =	vld [tilespmem:s22+$0xFFFFFFB0];
	v36 =	vadd.f32 v54, v37;
	v35 =	vadd.f32 v55, v40;
	vm2 =	veq.s32 v39, s24  }
0xc6: {  	s26 =	simm.s32 $0x0;
	s28 =	simm.s32 $0x20;
	s30 =	simm.s32 $0x10;
	v47 =	vld [tilespmem:s22+$0xFFFFFFC0];
	vm9 =	veq.s32 v39, s25;
	vm10 =	veq.s32 v39, s23;
	v5 =	vadd.f32 v56, v5  }
0xc7: {  	v44 =	vld [tilespmem:s22+$0xFFFFFFD0];
	vm11 =	veq.s32 v39, s26;
	vm12 =	veq.s32 v39, s28;
	vm14 =	veq.s32 v39, s30  }
0xc8: {  	v40 =	vnsel vm14, $0x0, v59;
	v37 =	vadd.f32 v58, v5;
	v5 =	vimm.f32 $0.0e+00  }
0xc9: {  	v45 =	vld [tilespmem:s22+$0xFFFFFFE0];
	s31 =	simm.s32 $0x30;
	v35 =	vadd.f32 v57, v35;
	v60 =	vnsel vm11, $0x0, v6;
	v6 =	vadd.f32 v6, v5  }
0xca: {  	v51 =	vld [tilespmem:s22+$0xFFFFFFF0];
	vm15 =	veq.s32 v39, s31;
	v61 =	vadd.f32 v59, v5;
	v48 =	vadd.f32 v40, v5  }
0xcb: {  	v52 =	vld [tilespmem:s22+$0x0];
	v49 =	vnsel vm12, $0x0, v46;
	v53 =	vadd.f32 v46, v5;
	v62 =	vadd.f32 v60, v5  }
0xcc: {  	s29 =	simm.s32 $0x50;
	s15 =	simm.s32 $0xEF0;
	v50 =	vnsel vm15, $0x0, v47;
	v5 =	vadd.f32 v47, v5;
	v40 =	vadd.f32 v44, v6  }
0xcd: {  	v42 =	vld [tilespmem:s15+$0xFFFFFFD0];
	vm13 =	veq.s32 v39, s29;
	v63 =	vadd.f32 v50, v48;
	v6 =	vadd.f32 v49, v62  }
0xce: {  	v43 =	vld [tilespmem:s15+$0xFFFFFFE0];
	v41 =	vadd.f32 v45, v61;
	v44 =	vnsel vm2, $0x0, v44;
	v45 =	vnsel vm13, $0x0, v45  }
0xcf: {  	v46 =	vld [tilespmem:s15+$0xFFFFFF90];
	v50 =	vnsel vm9, $0x0, v51;
	v49 =	vadd.f32 v45, v63;
	v48 =	vadd.f32 v44, v6  }
0xd0: {  	s16 =	simm.s32 $0xF0;
	s17 =	simm.s32 $0x170;
	v47 =	vld [tilespmem:s15+$0xFFFFFFA0];
	v45 =	vadd.f32 v51, v53;
	v44 =	vadd.f32 v52, v5;
	v5 =	vnsel vm10, $0x0, v52  }
.LBB2_13:
0xd1: {  	p0 =	sne.s32 s17, $0x24F0;
	v6 =	vld [tilespmem:s15+$0xFFFFFFB0];
	s18 =	sadd.s32 $0xFFFFFFD0, s16;
	s19 =	sadd.s32 $0xFFFFFFF0, s16;
	v48 =	vadd.f32 v50, v48;
	v5 =	vadd.f32 v5, v49  }
0xd2: {  	s20 =	sadd.s32 $0xFFFFFF90, s16;
	s21 =	sadd.s32 $0xFFFFFFB0, s16;
	vm0 =	veq.s32 v39, s16;
	v49 =	vld [tilespmem:s15+$0xFFFFFFC0];
	vm2 =	veq.s32 v39, s18;
	s18 =	sadd.s32 $0xFFFFFFE0, s16;
	vm1 =	veq.s32 v39, s19  }
0xd3: {  	vm3 =	veq.s32 v39, s20;
	s19 =	sadd.s32 $0xFFFFFFA0, s16;
	vm4 =	veq.s32 v39, s21;
	s20 =	sadd.s32 $0xFFFFFFC0, s16;
	s16 =	smov.u32 s17;
	vm5 =	veq.s32 v39, s18  }
0xd4: {  	vm6 =	veq.s32 v39, s20;
	v50 =	vnsel vm3, $0x0, v46;
	vm3 =	veq.s32 v39, s19  }
0xd5: {  	v40 =	vadd.f32 v46, v40;
	v41 =	vadd.f32 v47, v41;
	v46 =	vnsel vm3, $0x0, v47;
	v51 =	vld [tilespmem:s15+$0xFFFFFFF0]  }
0xd6: {  	v47 =	vadd.f32 v50, v48;
	v5 =	vadd.f32 v46, v5;
	v46 =	vnsel vm4, $0x0, v6;
	v52 =	vld [tilespmem:s15+$0x0]  }
.Ltmp5:
0xd7: {  	v40 =	vadd.f32 v42, v40;
	s15 =	sadd.s32 $0x400, s15;
	v48 =	vnsel vm6, $0x0, v49;
	v41 =	vadd.f32 v43, v41;
	(pc) =	sbr.rel @p0 .LBB2_13-.Ltmp5, $4  }
0xd8: {  	v47 =	vadd.f32 v46, v47;
	v5 =	vadd.f32 v48, v5;
	v48 =	vnsel vm2, $0x0, v42;
	v42 =	vld [tilespmem:s15+$0xFFFFFFD0]  }
0xd9: {  	v6 =	vadd.f32 v6, v45;
	v45 =	vnsel vm5, $0x0, v43;
	v44 =	vadd.f32 v49, v44;
	v43 =	vld [tilespmem:s15+$0xFFFFFFE0]  }
0xda: {  	v48 =	vadd.f32 v48, v47;
	v46 =	vld [tilespmem:s15+$0xFFFFFF90];
	v49 =	vadd.f32 v45, v5;
	v50 =	vnsel vm1, $0x0, v51  }
0xdb: {  	s17 =	sadd.s32 $0x80, s17;
	v45 =	vadd.f32 v51, v6;
	v47 =	vld [tilespmem:s15+$0xFFFFFFA0];
	v44 =	vadd.f32 v52, v44;
	v5 =	vnsel vm0, $0x0, v52  }
0xdc: {  	s17 =	sadd.s32 $0xFFFFFFD0, s16;
	v6 =	vld [tilespmem:s15+$0xFFFFFFB0];
	s18 =	sadd.s32 $0xFFFFFFF0, s16;
	v48 =	vadd.f32 v50, v48;
	v5 =	vadd.f32 v5, v49;
	s19 =	sadd.s32 $0xFFFFFF90, s16;
	vm0 =	veq.s32 v39, s16  }
0xdd: {  	s31 =	sadd.s32 $0xFFFFFFB0, s16;
	v56 =	vld [tilespmem:s15+$0xFFFFFFC0];
	s20 =	sadd.s32 $0xFFFFFFE0, s16;
	s21 =	sadd.s32 $0xFFFFFFC0, s16;
	vm2 =	veq.s32 v39, s17;
	vm1 =	veq.s32 v39, s18;
	vm3 =	veq.s32 v39, s19  }
0xde: {  	v60 =	vld [tilespmem:s15+$0xFFFFFFF0];
	s19 =	sadd.s32 $0xFFFFFFA0, s16;
	vm4 =	veq.s32 v39, s31;
	vm5 =	veq.s32 v39, s20;
	vm6 =	veq.s32 v39, s21  }
0xdf: {  	v63 =	vld [tilespmem:s15+$0x0];
	vm15 =	veq.s32 v39, s19;
	v55 =	vnsel vm2, $0x0, v42;
	v57 =	vnsel vm3, $0x0, v46  }
0xe0: {  	v39 =	vld [tilespmem:s14+$0x60];
	v58 =	vadd.f32 v46, v40;
	v41 =	vadd.f32 v47, v41;
	v59 =	vnsel vm15, $0x0, v47  }
0xe1: {  	v61 =	vadd.f32 v57, v48;
	v57 =	vnsel vm5, $0x0, v43;
	v5 =	vadd.f32 v59, v5  }
0xe2: {  	v62 =	vnsel vm4, $0x0, v6;
	v40 =	vadd.f32 v42, v58;
	v51 =	vnsel vm6, $0x0, v56  }
0xe3: {  	s22 =	simm.s32 $0xB70;
	v6 =	vadd.f32 v6, v45;
	v56 =	vadd.f32 v56, v44;
	v58 =	vnsel vm1, $0x0, v60  }
0xe4: {  	v53 =	vld [tilespmem:s22+$0xFFFFFFB0];
	v59 =	vnsel vm0, $0x0, v63;
	v41 =	vadd.f32 v43, v41;
	v47 =	vadd.f32 v62, v61  }
0xe5: {  	s24 =	simm.s32 $0x40;
	v5 =	vadd.f32 v51, v5;
	v44 =	vadd.f32 v60, v6;
	v6 =	vld [tilespmem:s22+$0xFFFFFF90];
	v46 =	vadd.s32 v0, v39  }
0xe6: {  	s23 =	simm.s32 $0x70;
	s25 =	simm.s32 $0x60;
	v42 =	vadd.f32 v63, v56;
	v60 =	vld [tilespmem:s22+$0xFFFFFFA0];
	v47 =	vadd.f32 v55, v47;
	vm2 =	veq.s32 v46, s24  }
0xe7: {  	s26 =	simm.s32 $0x0;
	s28 =	simm.s32 $0x20;
	s30 =	simm.s32 $0x10;
	v54 =	vld [tilespmem:s22+$0xFFFFFFC0];
	vm9 =	veq.s32 v46, s25;
	vm10 =	veq.s32 v46, s23;
	v5 =	vadd.f32 v57, v5  }
0xe8: {  	s31 =	simm.s32 $0x30;
	v51 =	vld [tilespmem:s22+$0xFFFFFFD0];
	vm11 =	veq.s32 v46, s26;
	vm12 =	veq.s32 v46, s28;
	vm14 =	veq.s32 v46, s30  }
0xe9: {  	vm15 =	veq.s32 v46, s31;
	v45 =	vadd.f32 v59, v5;
	v5 =	vimm.f32 $0.0e+00  }
0xea: {  	v52 =	vld [tilespmem:s22+$0xFFFFFFE0];
	v43 =	vadd.f32 v58, v47;
	v61 =	vnsel vm11, $0x0, v6;
	v6 =	vadd.f32 v6, v5  }
0xeb: {  	v58 =	vld [tilespmem:s22+$0xFFFFFFF0];
	v62 =	vadd.f32 v60, v5;
	v47 =	vnsel vm14, $0x0, v60;
	v60 =	vadd.f32 v53, v5  }
0xec: {  	v56 =	vnsel vm12, $0x0, v53;
	v59 =	vld [tilespmem:s22+$0x0];
	v63 =	vadd.f32 v61, v5;
	v55 =	vadd.f32 v47, v5  }
0xed: {  	s29 =	simm.s32 $0x50;
	s15 =	simm.s32 $0xF70;
	v57 =	vnsel vm15, $0x0, v54;
	v5 =	vadd.f32 v54, v5;
	v47 =	vadd.f32 v51, v6  }
0xee: {  	v49 =	vld [tilespmem:s15+$0xFFFFFFD0];
	vm13 =	veq.s32 v46, s29;
	v6 =	vadd.f32 v56, v63;
	v56 =	vadd.f32 v57, v55  }
0xef: {  	v50 =	vld [tilespmem:s15+$0xFFFFFFE0];
	v48 =	vadd.f32 v52, v62;
	v51 =	vnsel vm2, $0x0, v51;
	v52 =	vnsel vm13, $0x0, v52  }
0xf0: {  	v53 =	vld [tilespmem:s15+$0xFFFFFF90];
	v57 =	vnsel vm9, $0x0, v58;
	v55 =	vadd.f32 v51, v6;
	v56 =	vadd.f32 v52, v56  }
0xf1: {  	s16 =	simm.s32 $0xF0;
	s17 =	simm.s32 $0x170;
	v54 =	vld [tilespmem:s15+$0xFFFFFFA0];
	v52 =	vadd.f32 v58, v60;
	v51 =	vadd.f32 v59, v5;
	v5 =	vnsel vm10, $0x0, v59  }
.LBB2_15:
0xf2: {  	p0 =	sne.s32 s17, $0x24F0;
	v6 =	vld [tilespmem:s15+$0xFFFFFFB0];
	s18 =	sadd.s32 $0xFFFFFFD0, s16;
	s19 =	sadd.s32 $0xFFFFFFF0, s16;
	v55 =	vadd.f32 v57, v55;
	v5 =	vadd.f32 v5, v56  }
0xf3: {  	s20 =	sadd.s32 $0xFFFFFF90, s16;
	s21 =	sadd.s32 $0xFFFFFFB0, s16;
	vm0 =	veq.s32 v46, s16;
	v56 =	vld [tilespmem:s15+$0xFFFFFFC0];
	vm2 =	veq.s32 v46, s18;
	s18 =	sadd.s32 $0xFFFFFFE0, s16;
	vm1 =	veq.s32 v46, s19  }
0xf4: {  	vm3 =	veq.s32 v46, s20;
	s19 =	sadd.s32 $0xFFFFFFA0, s16;
	vm4 =	veq.s32 v46, s21;
	s20 =	sadd.s32 $0xFFFFFFC0, s16;
	s16 =	smov.u32 s17;
	vm5 =	veq.s32 v46, s18  }
0xf5: {  	vm6 =	veq.s32 v46, s20;
	v57 =	vnsel vm3, $0x0, v53;
	vm3 =	veq.s32 v46, s19  }
0xf6: {  	v47 =	vadd.f32 v53, v47;
	v48 =	vadd.f32 v54, v48;
	v53 =	vnsel vm3, $0x0, v54;
	v58 =	vld [tilespmem:s15+$0xFFFFFFF0]  }
0xf7: {  	v54 =	vadd.f32 v57, v55;
	v5 =	vadd.f32 v53, v5;
	v53 =	vnsel vm4, $0x0, v6;
	v59 =	vld [tilespmem:s15+$0x0]  }
.Ltmp6:
0xf8: {  	v47 =	vadd.f32 v49, v47;
	s15 =	sadd.s32 $0x400, s15;
	v55 =	vnsel vm6, $0x0, v56;
	v48 =	vadd.f32 v50, v48;
	(pc) =	sbr.rel @p0 .LBB2_15-.Ltmp6, $4  }
0xf9: {  	v54 =	vadd.f32 v53, v54;
	v5 =	vadd.f32 v55, v5;
	v55 =	vnsel vm2, $0x0, v49;
	v49 =	vld [tilespmem:s15+$0xFFFFFFD0]  }
0xfa: {  	v6 =	vadd.f32 v6, v52;
	v52 =	vnsel vm5, $0x0, v50;
	v51 =	vadd.f32 v56, v51;
	v50 =	vld [tilespmem:s15+$0xFFFFFFE0]  }
0xfb: {  	v55 =	vadd.f32 v55, v54;
	v53 =	vld [tilespmem:s15+$0xFFFFFF90];
	v56 =	vadd.f32 v52, v5;
	v57 =	vnsel vm1, $0x0, v58  }
0xfc: {  	s17 =	sadd.s32 $0x80, s17;
	v52 =	vadd.f32 v58, v6;
	v54 =	vld [tilespmem:s15+$0xFFFFFFA0];
	v51 =	vadd.f32 v59, v51;
	v5 =	vnsel vm0, $0x0, v59  }
0xfd: {  	s17 =	sadd.s32 $0xFFFFFFD0, s16;
	v6 =	vld [tilespmem:s15+$0xFFFFFFB0];
	s18 =	sadd.s32 $0xFFFFFFF0, s16;
	v55 =	vadd.f32 v57, v55;
	v5 =	vadd.f32 v5, v56;
	s19 =	sadd.s32 $0xFFFFFF90, s16;
	vm0 =	veq.s32 v46, s16  }
0xfe: {  	s31 =	sadd.s32 $0xFFFFFFB0, s16;
	v56 =	vld [tilespmem:s15+$0xFFFFFFC0];
	s20 =	sadd.s32 $0xFFFFFFE0, s16;
	s21 =	sadd.s32 $0xFFFFFFC0, s16;
	vm2 =	veq.s32 v46, s17;
	vm1 =	veq.s32 v46, s18;
	vm3 =	veq.s32 v46, s19  }
0xff: {  	s19 =	sadd.s32 $0xFFFFFFA0, s16;
	vm4 =	veq.s32 v46, s31;
	vm5 =	veq.s32 v46, s20;
	vm6 =	veq.s32 v46, s21  }
0x100: {  	vm15 =	veq.s32 v46, s19;
	v63 =	vnsel vm3, $0x0, v53;
	v46 =	vadd.f32 v53, v47  }
0x101: {  	v53 =	vld [tilespmem:s15+$0xFFFFFFF0];
	v48 =	vadd.f32 v54, v48;
	v60 =	vnsel vm15, $0x0, v54;
	v61 =	vadd.f32 v63, v55  }
0x102: {  	v63 =	vld [tilespmem:s15+$0x0];
	v5 =	vadd.f32 v60, v5;
	v62 =	vnsel vm4, $0x0, v6;
	v47 =	vadd.f32 v49, v46  }
0x103: {  	s22 =	simm.s32 $0xBF0;
	v58 =	vnsel vm6, $0x0, v56;
	v46 =	vld [tilespmem:s14+$0x70];
	v6 =	vadd.f32 v6, v52;
	v54 =	vadd.f32 v62, v61  }
0x104: {  	v59 =	vld [tilespmem:s22+$0xFFFFFFE0];
	v55 =	vnsel vm2, $0x0, v49;
	v51 =	vadd.f32 v56, v51;
	v5 =	vadd.f32 v58, v5  }
0x105: {  	v60 =	vnsel vm5, $0x0, v50;
	v48 =	vadd.f32 v50, v48;
	v58 =	vld [tilespmem:s22+$0xFFFFFFD0];
	v49 =	vadd.f32 v55, v54  }
0x106: {  	v61 =	vnsel vm1, $0x0, v53;
	v52 =	vadd.f32 v53, v6;
	v6 =	vld [tilespmem:s22+$0xFFFFFF90];
	v5 =	vadd.f32 v60, v5  }
0x107: {  	v54 =	vld [tilespmem:s22+$0xFFFFFFA0];
	v51 =	vadd.f32 v63, v51;
	v62 =	vnsel vm0, $0x0, v63;
	v49 =	vadd.f32 v61, v49  }
0x108: {  	s24 =	simm.s32 $0x40;
	s25 =	simm.s32 $0x60;
	s26 =	simm.s32 $0x0;
	v60 =	vld [tilespmem:s22+$0xFFFFFFB0];
	v53 =	vadd.s32 v0, v46;
	v50 =	vadd.f32 v62, v5;
	v5 =	vimm.f32 $0.0e+00  }
0x109: {  	s28 =	simm.s32 $0x20;
	s29 =	simm.s32 $0x50;
	s30 =	simm.s32 $0x10;
	v61 =	vld [tilespmem:s22+$0xFFFFFFC0];
	vm2 =	veq.s32 v53, s24;
	vm9 =	veq.s32 v53, s25;
	vm11 =	veq.s32 v53, s26  }
0x10a: {  	s31 =	simm.s32 $0x30;
	vm12 =	veq.s32 v53, s28;
	vm13 =	veq.s32 v53, s29;
	vm14 =	veq.s32 v53, s30  }
0x10b: {  	v7 =	vld [tilespmem:s22+$0xFFFFFFF0];
	vm15 =	veq.s32 v53, s31;
	v63 =	vnsel vm11, $0x0, v6;
	v6 =	vadd.f32 v6, v5  }
0x10c: {  	v56 =	vadd.f32 v54, v5;
	v54 =	vnsel vm14, $0x0, v54;
	v62 =	vadd.f32 v63, v5  }
0x10d: {  	v8 =	vld [tilespmem:s22+$0x0];
	v54 =	vadd.f32 v54, v5;
	v63 =	vnsel vm12, $0x0, v60;
	v10 =	vadd.f32 v60, v5  }
0x10e: {  	s14 =	simm.s32 $0xFF0;
	v9 =	vnsel vm15, $0x0, v61;
	v57 =	vadd.f32 v58, v6;
	v56 =	vadd.f32 v59, v56  }
0x10f: {  	v55 =	vld [tilespmem:s14+$0xFFFFFFD0];
	v58 =	vnsel vm2, $0x0, v58;
	v6 =	vadd.f32 v63, v62;
	v9 =	vadd.f32 v9, v54  }
0x110: {  	s23 =	simm.s32 $0x70;
	v60 =	vld [tilespmem:s14+$0xFFFFFF90];
	v12 =	vadd.f32 v61, v5;
	v5 =	vnsel vm13, $0x0, v59;
	v59 =	vadd.f32 v7, v10  }
0x111: {  	vm10 =	veq.s32 v53, s23;
	v61 =	vld [tilespmem:s14+$0xFFFFFFA0];
	v63 =	vadd.f32 v58, v6;
	v62 =	vadd.f32 v5, v9  }
0x112: {  	s16 =	simm.s32 $0x170;
	s15 =	simm.s32 $0xF0;
	v54 =	vld [tilespmem:s14+$0xFFFFFFE0];
	v5 =	vnsel vm9, $0x0, v7;
	v58 =	vadd.f32 v8, v12;
	v6 =	vnsel vm10, $0x0, v8  }
.LBB2_17:
0x113: {  	p0 =	sne.s32 s16, $0x24F0;
	v7 =	vld [tilespmem:s14+$0xFFFFFFB0];
	s17 =	sadd.s32 $0xFFFFFFD0, s15;
	s18 =	sadd.s32 $0xFFFFFFF0, s15;
	v5 =	vadd.f32 v5, v63;
	v6 =	vadd.f32 v6, v62  }
0x114: {  	s19 =	sadd.s32 $0xFFFFFF90, s15;
	s20 =	sadd.s32 $0xFFFFFFB0, s15;
	vm0 =	veq.s32 v53, s15;
	v8 =	vld [tilespmem:s14+$0xFFFFFFC0];
	vm2 =	veq.s32 v53, s17;
	s17 =	sadd.s32 $0xFFFFFFE0, s15;
	vm1 =	veq.s32 v53, s18  }
0x115: {  	vm3 =	veq.s32 v53, s19;
	s18 =	sadd.s32 $0xFFFFFFA0, s15;
	vm4 =	veq.s32 v53, s20;
	s19 =	sadd.s32 $0xFFFFFFC0, s15;
	s15 =	smov.u32 s16;
	vm5 =	veq.s32 v53, s17  }
0x116: {  	vm6 =	veq.s32 v53, s19;
	v9 =	vnsel vm3, $0x0, v60;
	vm3 =	veq.s32 v53, s18  }
0x117: {  	v10 =	vadd.f32 v60, v57;
	v12 =	vadd.f32 v61, v56;
	v56 =	vnsel vm3, $0x0, v61;
	v13 =	vld [tilespmem:s14+$0xFFFFFFF0]  }
0x118: {  	v5 =	vadd.f32 v9, v5;
	v6 =	vadd.f32 v56, v6;
	v9 =	vnsel vm4, $0x0, v7;
	v14 =	vld [tilespmem:s14+$0x0]  }
.Ltmp7:
0x119: {  	v57 =	vadd.f32 v55, v10;
	s14 =	sadd.s32 $0x400, s14;
	v60 =	vnsel vm6, $0x0, v8;
	v56 =	vadd.f32 v54, v12;
	(pc) =	sbr.rel @p0 .LBB2_17-.Ltmp7, $4  }
0x11a: {  	v5 =	vadd.f32 v9, v5;
	v9 =	vnsel vm2, $0x0, v55;
	v6 =	vadd.f32 v60, v6;
	v55 =	vld [tilespmem:s14+$0xFFFFFFD0]  }
0x11b: {  	v7 =	vadd.f32 v7, v59;
	v10 =	vnsel vm5, $0x0, v54;
	v8 =	vadd.f32 v8, v58;
	v54 =	vld [tilespmem:s14+$0xFFFFFFE0]  }
0x11c: {  	v63 =	vadd.f32 v9, v5;
	v60 =	vld [tilespmem:s14+$0xFFFFFF90];
	v62 =	vadd.f32 v10, v6;
	v5 =	vnsel vm1, $0x0, v13  }
0x11d: {  	s16 =	sadd.s32 $0x80, s16;
	v59 =	vadd.f32 v13, v7;
	v61 =	vld [tilespmem:s14+$0xFFFFFFA0];
	v58 =	vadd.f32 v14, v8;
	v6 =	vnsel vm0, $0x0, v14  }
0x11e: {  	v5 =	vadd.f32 v5, v63  }
0x11f: {  	v6 =	vadd.f32 v6, v62;
	vm7 =	veq.s32 v3, $0x0;
	v3 =	vadd.f32 v23, v21  }
0x120: {  	v7 =	vld [tilespmem:s14+$0xFFFFFFB0];
	s16 =	sadd.s32 $0xFFFFFF90, s15;
	s26 =	sadd.s32 $0xFFFFFFA0, s15;
	s28 =	sadd.s32 $0xFFFFFFB0, s15;
	vm8 =	veq.s32 v53, s15;
	v30 =	vadd.f32 v30, v29;
	v34 =	vadd.f32 v34, v33  }
0x121: {  	v8 =	vld [tilespmem:s14+$0xFFFFFFC0];
	s17 =	sadd.s32 $0xFFFFFFC0, s15;
	s29 =	sadd.s32 $0xFFFFFFD0, s15;
	vm0 =	veq.s32 v53, s16;
	vm1 =	veq.s32 v53, s26;
	vm14 =	veq.s32 v53, s28  }
0x122: {  	v62 =	vld [tilespmem:$0x1FFB0];
	vm15 =	veq.s32 v53, s17;
	vm4 =	veq.s32 v53, s29;
	v9 =	vnsel vm0, $0x0, v60  }
0x123: {  	s30 =	sadd.s32 $0xFFFFFFE0, s15;
	s31 =	sadd.s32 $0xFFFFFFF0, s15;
	v10 =	vadd.f32 v60, v57;
	v57 =	vnsel vm1, $0x0, v61;
	v60 =	vadd.f32 v61, v56;
	v61 =	vld [tilespmem:$0x1FFA0]  }
0x124: {  	vm5 =	veq.s32 v53, s30;
	vm6 =	veq.s32 v53, s31;
	v53 =	vadd.f32 v48, v47;
	v56 =	vld [tilespmem:$0x1FFC0]  }
0x125: {  	vm10 =	veq.s32 v11, $0x0;
	v11 =	vadd.f32 v38, v34;
	v6 =	vadd.f32 v57, v6;
	v57 =	vld [tilespmem:$0x1FF70]  }
0x126: {  	v5 =	vadd.f32 v9, v5;
	v12 =	vnsel vm14, $0x0, v7;
	v7 =	vadd.f32 v7, v59;
	v59 =	vld [tilespmem:$0x1FFD0]  }
0x127: {  	v13 =	vnsel vm15, $0x0, v8;
	v8 =	vadd.f32 v8, v58;
	v9 =	vadd.f32 v54, v60;
	v60 =	vld [tilespmem:$0x1FFE0]  }
0x128: {  	v5 =	vadd.f32 v12, v5;
	v12 =	vadd.f32 v62, v61;
	v61 =	vld [tilespmem:$0x1FFF0]  }
0x129: {  	v63 =	vld [tilespmem:s14+$0xFFFFFFF0];
	v14 =	vnsel vm4, $0x0, v55;
	v10 =	vadd.f32 v55, v10;
	v55 =	vadd.f32 v52, v53  }
0x12a: {  	v58 =	vnsel vm5, $0x0, v54;
	v54 =	vadd.f32 v36, v11;
	v6 =	vadd.f32 v13, v6  }
0x12b: {  	v62 =	vadd.f32 v20, v19;
	v19 =	vld [tilespmem:$0x1FF80];
	v12 =	vadd.f32 v56, v12  }
0x12c: {  	v5 =	vadd.f32 v14, v5;
	v20 =	vld [tilespmem:$0x1FF90];
	v14 =	vadd.f32 v15, v57  }
0x12d: {  	v12 =	vadd.f32 v59, v12;
	v15 =	vadd.f32 v61, v60  }
0x12e: {  	v7 =	vadd.f32 v63, v7;
	v14 =	vadd.f32 v17, v14  }
0x12f: {  	v11 =	vadd.f32 v51, v55;
	v12 =	vmul.f32 $-3.125195240e-06, v12;
	v15 =	vmul.f32 $8.999968760e-01, v15  }
0x130: {  	v13 =	vnsel vm6, $0x0, v63;
	v63 =	vadd.f32 v24, v62;
	v14 =	vadd.f32 v19, v14  }
0x131: {  	v12 =	vsub.f32 v12, v15;
	v15 =	vadd.f32 v16, v20  }
0x132: {  	v5 =	vadd.f32 v13, v5;
	v24 =	vadd.f32 v27, v26  }
0x133: {  	v13 =	vadd.f32 v22, v63;
	v14 =	vmul.f32 $-3.125195240e-06, v14;
	v15 =	vmul.f32 $8.999968760e-01, v15  }
0x134: {  	v3 =	vmul.f32 $8.999968760e-01, v3;
	v9 =	vadd.f32 v9, v10;
	v27 =	vadd.f32 v31, v24  }
0x135: {  	v13 =	vmul.f32 $-3.125195240e-06, v13;
	v12 =	vsel vm7, $0x0, v12;
	v14 =	vsub.f32 v14, v15  }
0x136: {  	vm9 =	veq.s32 v4, $0x0;
	v6 =	vadd.f32 v58, v6;
	v2 =	vadd.f32 v12, v2  }
0x137: {  	v28 =	vadd.f32 v28, v27;
	v3 =	vsub.f32 v13, v3;
	v14 =	vsel vm9, $0x0, v14  }
0x138: {  	v26 =	vld [tilespmem:s14+$0x0];
	v56 =	vadd.f32 v37, v35;
	v2 =	vadd.f32 v14, v2  }
0x139: {  	v4 =	vmul.f32 $-3.125195240e-06, v28;
	v3 =	vsel vm10, $0x0, v3;
	v12 =	vmul.f32 $8.999968760e-01, v30  }
0x13a: {  	v2 =	vadd.f32 v3, v2;
	v3 =	vadd.f32 v41, v40  }
0x13b: {  	vm11 =	veq.s32 v18, $0x0;
	v57 =	vadd.f32 v45, v43;
	v4 =	vsub.f32 v4, v12  }
0x13c: {  	v7 =	vadd.f32 v7, v9;
	v58 =	vmul.f32 $8.999968760e-01, v56;
	v3 =	vadd.f32 v44, v3  }
0x13d: {  	v59 =	vadd.f32 v50, v49;
	v31 =	vnsel vm8, $0x0, v26;
	v4 =	vsel vm11, $0x0, v4  }
0x13e: {  	v2 =	vadd.f32 v4, v2;
	v4 =	vmul.f32 $-3.125195240e-06, v54;
	v3 =	vadd.f32 v42, v3  }
0x13f: {  	vm12 =	veq.s32 v25, $0x0;
	v8 =	vadd.f32 v26, v8;
	v6 =	vadd.f32 v31, v6  }
0x140: {  	v13 =	vmul.f32 $8.999968760e-01, v57;
	v4 =	vsub.f32 v4, v58;
	v3 =	vmul.f32 $-3.125195240e-06, v3  }
0x141: {  	v60 =	vmul.f32 $-3.125195240e-06, v11;
	v61 =	vmul.f32 $8.999968760e-01, v59;
	v7 =	vadd.f32 v8, v7  }
0x142: {  	v5 =	vadd.f32 v6, v5;
	v4 =	vsel vm12, $0x0, v4;
	v3 =	vsub.f32 v3, v13  }
0x143: {  	vm13 =	veq.s32 v32, $0x0;
	s13 =	sadd.s32 $0x1, s13;
	v62 =	vsub.f32 v60, v61;
	v2 =	vadd.f32 v4, v2  }
0x144: {  	p0 =	sne.s32 s13, $0x10;
	v63 =	vmul.f32 $-3.125195240e-06, v7;
	v5 =	vmul.f32 $8.999968760e-01, v5;
	v3 =	vsel vm13, $0x0, v3  }
.Ltmp8:
0x145: {  	vm14 =	veq.s32 v39, $0x0;
	v2 =	vadd.f32 v3, v2;
	(pc) =	sbr.rel @p0 .LBB2_2-.Ltmp8, $4  }
0x146: {  	v4 =	vsel vm14, $0x0, v62;
	v3 =	vsub.f32 v63, v5  }
0x147: {  	vm15 =	veq.s32 v46, $0x0;
	v2 =	vadd.f32 v4, v2  }
0x148: {  	v3 =	vsel vm15, $0x0, v3  }
0x149: {  	v2 =	vadd.f32 v3, v2  }
0x14a: {  	s12 =	sadd.s32 $0x1, s12  }
0x14b: {  	p0 =	sne.s32 s12, s7  }
.Ltmp9:
0x14c: {  	[tilespmem:$0x13000] =	vst v2;
	(pc) =	sbr.rel @p0 .LBB2_1-.Ltmp9, $4  }
0x14d: {  	[hbm4b:s6+s3] =	stream.linear.scatter [tilespmem:s11], [sflag:$0x2], $0x80, $0x38;
	[tilespmem:$0x13080] =	vst v63  }
0x14e: {  	_ =	swait.ge [sflag:s8], $0x80  }
0x14f: {  	[sflag:s8] =	ssyncset.done $0x0  }
0x150: {  	[sflag:s8] =	ssyncadd.s32 $0xFFFFFF80  }
0x151: {  	_ =	sfence.sel $0x180000  }
0x152: {  	[bflag:$0x0] =	sbarrier.arrive $0xFFFF  }
0x153: {  	p0 =	sne.s32 s2, $0x0;
	_ =	strace $0x90000047  }
0x154: {  	s0 =	sadd.s32 @!p0 $0x100000, s0;
	[bflag:$0x2] =	sbarrier.arrive $0xFFFF  }
0x155: {  	[sflag:s0] =	ssyncadd.tile.s32 @!p0 $0x1;
	_ =	shalt  }
.Lfunc_end2:
_tile_overlayer_lowered:
.L_overlay_start_2:
0x156: {  	(tag) =	ssettag $0x2  }
0x157: {  	s0 =	rddreg [dreg:$0x0];
	s2 =	stileid.u32  }
0x158: {  	s1 =	rddreg [dreg:$0x1];
	p0 =	sne.s32 s2, $0x0  }
0x159: {  	s3 =	rddreg [dreg:$0x2];
	[bflag:$0x3] =	sbarrier.arrive $0xFFFF;
	s2 =	simm.s32 @!p0 $0x1C02  }
0x15a: {  	[timem:s3], [sflag:s2] =	dma.local @!p0 [hbm:s0], s1  }
0x15b: {  	s0 =	simm.s32 @!p0 $0x2  }
0x15c: {  	_ =	swait.ge @!p0 [sflag:s0], s1  }
0x15d: {  	s1 =	ssub.s32 @!p0 $0x0, s1;
	[sflag:s0] =	ssyncset.done @!p0 $0x0  }
0x15e: {  	[sflag:s0] =	ssyncadd.s32 @!p0 s1  }
0x15f: {  	[bflag:$0x3] =	sbarrier.arrive $0xFFFF  }
0x160: {  	_ =	shalt  }

</sc_bundles>
